<compile_context>
chip_gen: v7x
topology: tpu7x:2x2x1
jax: 0.10.2.dev20260603
libtpu: 0.0.44.dev20260713+nightly
codegen_flags: <defaults>
</compile_context>

<pallas_src>
import functools
import math

import jax
import jax.numpy as jnp
from jax import lax
from jax.experimental import pallas as pl
from jax.experimental.pallas import tpu as pltpu
from jax.experimental.pallas import tpu_sc as plsc

_N_FIELDS = 26
_VOCAB = 100000
_EMB_DIM = 32
_D_MODEL = 1024
_BATCH = 4096
_SUM_EMB = _N_FIELDS * _EMB_DIM
_SCALE = math.sqrt(_EMB_DIM)

_NC = 2
_NS = 16
_NW = _NC * _NS
_L = 16
_BPW = _BATCH // _NW
_CPR = _VOCAB // 8


def _gather_body(xt_hbm, tab_hbm, out_hbm, xall, idxv, offv, chunks, strip,
                 gsem, wsem):
    wid = lax.axis_index("s") * _NC + lax.axis_index("c")
    base = wid * _BPW
    pltpu.sync_copy(xt_hbm.at[:, pl.ds(base, _BPW)], xall)

    lanes = lax.iota(jnp.int32, _L)

    def field_body(f, carry):
        def build(e, c2):
            k = f * _EMB_DIM + e
            for g in range(_BPW // _L):
                xv = xall[f, pl.ds(g * _L, _L)]
                idxv[e, pl.ds(g * _L, _L)] = (
                    lax.shift_right_logical(xv, 3) + k * _CPR)
            return c2

        lax.fori_loop(0, _EMB_DIM, build, 0)
        for g in range(_BPW // _L):
            offv[g, :] = lax.bitwise_and(xall[f, pl.ds(g * _L, _L)], 7)

        for e in range(_EMB_DIM):
            pltpu.make_async_copy(
                tab_hbm.at[idxv.at[e]], chunks.at[e], gsem).start()
        for e in range(_EMB_DIM):
            pltpu.make_async_copy(
                tab_hbm.at[idxv.at[e]], chunks.at[e], gsem).wait()

        @pl.when(f > 0)
        def _():
            pltpu.make_async_copy(
                strip,
                out_hbm.at[pl.ds((f - 1) * _EMB_DIM, _EMB_DIM),
                           pl.ds(base, _BPW)],
                wsem,
            ).wait()

        def extract(e, c2):
            ev = jnp.zeros((_L,), jnp.int32) + e
            for g in range(_BPW // _L):
                b16 = g * _L + lanes
                v = plsc.load_gather(chunks, [ev, b16, offv[g, :]])
                strip[e, pl.ds(g * _L, _L)] = v
            return c2

        lax.fori_loop(0, _EMB_DIM, extract, 0)

        pltpu.make_async_copy(
            strip,
            out_hbm.at[pl.ds(f * _EMB_DIM, _EMB_DIM), pl.ds(base, _BPW)],
            wsem,
        ).start()
        return carry

    lax.fori_loop(0, _N_FIELDS, field_body, 0)

    pltpu.make_async_copy(
        strip,
        out_hbm.at[pl.ds((_N_FIELDS - 1) * _EMB_DIM, _EMB_DIM),
                   pl.ds(base, _BPW)],
        wsem,
    ).wait()


@functools.cache
def _make_gather():
    return pl.kernel(
        _gather_body,
        out_type=jax.ShapeDtypeStruct((_SUM_EMB, _BATCH), jnp.float32),
        mesh=plsc.VectorSubcoreMesh(core_axis_name="c", subcore_axis_name="s"),
        scratch_types=[
            pltpu.VMEM((_N_FIELDS, _BPW), jnp.int32),
            pltpu.VMEM((_EMB_DIM, _BPW), jnp.int32),
            pltpu.VMEM((_BPW // _L, _L), jnp.int32),
            pltpu.VMEM((_EMB_DIM, _BPW, 8), jnp.float32),
            pltpu.VMEM((_EMB_DIM, _BPW), jnp.float32),
            pltpu.SemaphoreType.DMA,
            pltpu.SemaphoreType.DMA,
        ],
        compiler_params=pltpu.CompilerParams(
            use_tc_tiling_on_sc=False, needs_layout_passes=False),
    )


def _proj_body(e_ref, w_ref, b_ref, o_ref):
    acc = jax.lax.dot_general(
        e_ref[...], w_ref[...],
        dimension_numbers=(((0,), (0,)), ((), ())),
        preferred_element_type=jnp.float32)
    o_ref[...] = acc * _SCALE + b_ref[...]


_M_TILE = 512

_proj = pl.pallas_call(
    _proj_body,
    grid=(_BATCH // _M_TILE,),
    in_specs=[
        pl.BlockSpec((_SUM_EMB, _M_TILE), lambda i: (0, i)),
        pl.BlockSpec((_SUM_EMB, _D_MODEL), lambda i: (0, 0)),
        pl.BlockSpec((1, _D_MODEL), lambda i: (0, 0)),
    ],
    out_specs=pl.BlockSpec((_M_TILE, _D_MODEL), lambda i: (i, 0)),
    out_shape=jax.ShapeDtypeStruct((_BATCH, _D_MODEL), jnp.float32),
)


def kernel(x, tables, W, b):
    tabt = tables.transpose(0, 2, 1).reshape(_SUM_EMB, _VOCAB)
    tabc = tabt.reshape(_SUM_EMB * _CPR, 8)
    embt = _make_gather()(x.T, tabc)
    return _proj(embt, W, b.reshape(1, _D_MODEL))

# --- scband reference (transcript-rebuilt; emitter-appended) ---
"""Pipeline reference for scband-cpembedding-17970143167199 (READ-ONLY COPY).

The authoritative reference and input builder live on the scoring server;
editing this copy changes nothing except your own understanding.
"""

import jax, jax.numpy as jnp
import numpy as np

N_FIELDS = 26
VOCAB = 100000
EMB_DIM = 32
D_MODEL = 1024
BATCH = 4096
SUM_EMB = N_FIELDS * EMB_DIM  # 832


def setup_inputs(seed: int = 0) -> dict:
    key = jax.random.key(seed)
    kx, kt, kw, kb = jax.random.split(key, 4)
    x = jax.random.randint(kx, (BATCH, N_FIELDS), 0, VOCAB, dtype=jnp.int32)
    # stacked embedding tables, one per attribute (all same shape)
    tables = jax.random.normal(kt, (N_FIELDS, VOCAB, EMB_DIM), dtype=jnp.float32) * 0.02
    # projection Linear(sum_emb_dims -> d_model)
    W = jax.random.normal(kw, (SUM_EMB, D_MODEL), dtype=jnp.float32) * 0.02
    b = jnp.zeros((D_MODEL,), dtype=jnp.float32)
    return {"x": x, "tables": tables, "W": W, "b": b}


def reference(x, tables, W, b):
    scale = EMB_DIM ** 0.5  # math.sqrt(d_model) per attribute embedding
    embs = []
    for i in range(N_FIELDS):
        e = jnp.take(tables[i], x[:, i], axis=0) * scale
        embs.append(e)
    embs = jnp.concatenate(embs, axis=-1)  # [B, sum_emb_dims]
    out = embs @ W + b  # projection since d_model != sum_emb_dims
    # positional_embedding == 'none' -> no pos emb; dropout p=0.0 -> identity
    return out

if __name__ == "__main__":
    import jax
    _d = setup_inputs()
    print(jax.jit(kernel)(*tuple(_d.values())))

</pallas_src>

<mosaic_0001>
#map = affine_map<(d0, d1) -> (0, 0)>
module attributes {stable_mosaic.version = 14 : i64} {
  func.func @_gather_body(%arg0: i32, %arg1: i32, %arg2: memref<26x4096xi32, #tpu.memory_space<hbm>>, %arg3: memref<10400000x8xf32, #tpu.memory_space<hbm>>, %arg4: memref<832x4096xf32, #tpu.memory_space<hbm>>, %arg5: memref<26x128xi32, #tpu.memory_space<vmem>>, %arg6: memref<32x128xi32, #tpu.memory_space<vmem>>, %arg7: memref<8x16xi32, #tpu.memory_space<vmem>>, %arg8: memref<32x128x8xf32, #tpu.memory_space<vmem>>, %arg9: memref<32x128xf32, #tpu.memory_space<vmem>>, %arg10: memref<!tpu.dma_semaphore, #tpu.memory_space<semaphore_mem>>, %arg11: memref<!tpu.dma_semaphore, #tpu.memory_space<semaphore_mem>>) attributes {dimension_semantics = [#tpu.dimension_semantics<core_parallel>, #tpu.dimension_semantics<subcore_parallel>], iteration_bounds = array<i64: 2, 16>, scalar_prefetch = 0 : i64, scratch_operands = 7 : i64, tpu.core_type = #tpu.core_type<sc_vector_subcore>, window_params = [{transform_indices = #map}, {transform_indices = #map}, {transform_indices = #map}]} {
    %mul3A = arith.constant 2 : i32
    %mul3A_0 = arith.muli %arg1, %mul3A : i32
    %add3A = arith.addi %mul3A_0, %arg0 : i32
    %mul3A_1 = arith.constant 128 : i32
    %mul3A_2 = arith.muli %add3A, %mul3A_1 : i32
    "tpu.region"() ({
      %run_scoped3A = tpu.sem_alloc : memref<!tpu.dma_semaphore, #tpu.memory_space<semaphore_mem>>
      %dma_start3A = arith.constant 0 : i32
      %dma_start3A_11 = tpu.memref_slice %arg2[%dma_start3A, %mul3A_2] : memref<26x4096xi32, #tpu.memory_space<hbm>> -> memref<26x128xi32, #tpu.memory_space<hbm>>
      %dma_start3A_12 = arith.constant 0 : i32
      %dma_start3A_13 = tpu.memref_slice %arg2[%dma_start3A_12, %mul3A_2] : memref<26x4096xi32, #tpu.memory_space<hbm>> -> memref<26x128xi32, #tpu.memory_space<hbm>>
      tpu.enqueue_dma source(%dma_start3A_13 : memref<26x128xi32, #tpu.memory_space<hbm>>) target(%arg5 : memref<26x128xi32, #tpu.memory_space<vmem>>) target_semaphore(%run_scoped3A : memref<!tpu.dma_semaphore, #tpu.memory_space<semaphore_mem>>)
      %dma_wait3A_14 = arith.constant 0 : i32
      %dma_wait3A_15 = tpu.memref_slice %arg2[%dma_wait3A_14, %mul3A_2] : memref<26x4096xi32, #tpu.memory_space<hbm>> -> memref<26x128xi32, #tpu.memory_space<hbm>>
      %dma_wait3A_16 = arith.constant 0 : i32
      %dma_wait3A_17 = tpu.memref_slice %arg2[%dma_wait3A_16, %mul3A_2] : memref<26x4096xi32, #tpu.memory_space<hbm>> -> memref<26x128xi32, #tpu.memory_space<hbm>>
      tpu.wait_dma2 semaphore(%run_scoped3A : memref<!tpu.dma_semaphore, #tpu.memory_space<semaphore_mem>>) src(%dma_wait3A_17 : memref<26x128xi32, #tpu.memory_space<hbm>>) dst(%arg5 : memref<26x128xi32, #tpu.memory_space<vmem>>)
      tpu.yield
    }) : () -> ()
    %iota3A = tpu.iota {dimensions = array<i32: 0>} : vector<16xi32>
    %scan3A = arith.constant 0 : i32
    %scan3A_3 = arith.constant 0 : i32
    %scan3A_4 = arith.constant 26 : i32
    %scan3A_5 = arith.addi %scan3A_3, %scan3A_4 : i32
    %scan3A_6 = arith.constant 1 : i32
    scf.for %scan3A_11 = %scan3A_3 to %scan3A_5 step %scan3A_6  : i32 {
      %scan3A_12 = arith.constant 0 : i32
      %scan3A_13 = arith.constant 0 : i32
      %scan3A_14 = arith.constant 32 : i32
      %scan3A_15 = arith.addi %scan3A_13, %scan3A_14 : i32
      %scan3A_16 = arith.constant 1 : i32
      scf.for %scan3A_874 = %scan3A_13 to %scan3A_15 step %scan3A_16  : i32 {
        %mul3A_875 = arith.constant 32 : i32
        %mul3A_876 = arith.muli %scan3A_11, %mul3A_875 : i32
        %add3A_877 = arith.addi %mul3A_876, %scan3A_874 : i32
        %get3A_878 = arith.index_cast %scan3A_11 : i32 to index
        %get3A_879 = arith.constant 0 : index
        %get3A_880 = tpu.vector_load %arg5[%get3A_878, %get3A_879] {strides = array<i32>} : memref<26x128xi32, #tpu.memory_space<vmem>>, vector<16xi32>,
        %shift_right_logical3A = arith.constant 3 : i32
        %shift_right_logical3A_881 = vector.broadcast %shift_right_logical3A : i32 to vector<16xi32>
        %shift_right_logical3A_882 = arith.shrui %get3A_880, %shift_right_logical3A_881 : vector<16xi32>
        %mul3A_883 = arith.constant 12500 : i32
        %mul3A_884 = arith.muli %add3A_877, %mul3A_883 : i32
        %add3A_885 = vector.broadcast %mul3A_884 : i32 to vector<16xi32>
        %add3A_886 = arith.addi %shift_right_logical3A_882, %add3A_885 : vector<16xi32>
        %swap3A_887 = arith.index_cast %scan3A_874 : i32 to index
        %swap3A_888 = arith.constant 0 : index
        %swap3A_889 = tpu.vector_load %arg6[%swap3A_887, %swap3A_888] {strides = array<i32>} : memref<32x128xi32, #tpu.memory_space<vmem>>, vector<16xi32>,
        tpu.vector_store %arg6[%swap3A_887, %swap3A_888], %add3A_886 {strides = array<i32>} : memref<32x128xi32, #tpu.memory_space<vmem>>, vector<16xi32>,
        %get3A_890 = arith.index_cast %scan3A_11 : i32 to index
        %get3A_891 = arith.constant 16 : index
        %get3A_892 = tpu.vector_load %arg5[%get3A_890, %get3A_891] {strides = array<i32>} : memref<26x128xi32, #tpu.memory_space<vmem>>, vector<16xi32>,
        %shift_right_logical3A_893 = arith.constant 3 : i32
        %shift_right_logical3A_894 = vector.broadcast %shift_right_logical3A_893 : i32 to vector<16xi32>
        %shift_right_logical3A_895 = arith.shrui %get3A_892, %shift_right_logical3A_894 : vector<16xi32>
        %mul3A_896 = arith.constant 12500 : i32
        %mul3A_897 = arith.muli %add3A_877, %mul3A_896 : i32
        %add3A_898 = vector.broadcast %mul3A_897 : i32 to vector<16xi32>
        %add3A_899 = arith.addi %shift_right_logical3A_895, %add3A_898 : vector<16xi32>
        %swap3A_900 = arith.index_cast %scan3A_874 : i32 to index
        %swap3A_901 = arith.constant 16 : index
        %swap3A_902 = tpu.vector_load %arg6[%swap3A_900, %swap3A_901] {strides = array<i32>} : memref<32x128xi32, #tpu.memory_space<vmem>>, vector<16xi32>,
        tpu.vector_store %arg6[%swap3A_900, %swap3A_901], %add3A_899 {strides = array<i32>} : memref<32x128xi32, #tpu.memory_space<vmem>>, vector<16xi32>,
        %get3A_903 = arith.index_cast %scan3A_11 : i32 to index
        %get3A_904 = arith.constant 32 : index
        %get3A_905 = tpu.vector_load %arg5[%get3A_903, %get3A_904] {strides = array<i32>} : memref<26x128xi32, #tpu.memory_space<vmem>>, vector<16xi32>,
        %shift_right_logical3A_906 = arith.constant 3 : i32
        %shift_right_logical3A_907 = vector.broadcast %shift_right_logical3A_906 : i32 to vector<16xi32>
        %shift_right_logical3A_908 = arith.shrui %get3A_905, %shift_right_logical3A_907 : vector<16xi32>
        %mul3A_909 = arith.constant 12500 : i32
        %mul3A_910 = arith.muli %add3A_877, %mul3A_909 : i32
        %add3A_911 = vector.broadcast %mul3A_910 : i32 to vector<16xi32>
        %add3A_912 = arith.addi %shift_right_logical3A_908, %add3A_911 : vector<16xi32>
        %swap3A_913 = arith.index_cast %scan3A_874 : i32 to index
        %swap3A_914 = arith.constant 32 : index
        %swap3A_915 = tpu.vector_load %arg6[%swap3A_913, %swap3A_914] {strides = array<i32>} : memref<32x128xi32, #tpu.memory_space<vmem>>, vector<16xi32>,
        tpu.vector_store %arg6[%swap3A_913, %swap3A_914], %add3A_912 {strides = array<i32>} : memref<32x128xi32, #tpu.memory_space<vmem>>, vector<16xi32>,
        %get3A_916 = arith.index_cast %scan3A_11 : i32 to index
        %get3A_917 = arith.constant 48 : index
        %get3A_918 = tpu.vector_load %arg5[%get3A_916, %get3A_917] {strides = array<i32>} : memref<26x128xi32, #tpu.memory_space<vmem>>, vector<16xi32>,
        %shift_right_logical3A_919 = arith.constant 3 : i32
        %shift_right_logical3A_920 = vector.broadcast %shift_right_logical3A_919 : i32 to vector<16xi32>
        %shift_right_logical3A_921 = arith.shrui %get3A_918, %shift_right_logical3A_920 : vector<16xi32>
        %mul3A_922 = arith.constant 12500 : i32
        %mul3A_923 = arith.muli %add3A_877, %mul3A_922 : i32
        %add3A_924 = vector.broadcast %mul3A_923 : i32 to vector<16xi32>
        %add3A_925 = arith.addi %shift_right_logical3A_921, %add3A_924 : vector<16xi32>
        %swap3A_926 = arith.index_cast %scan3A_874 : i32 to index
        %swap3A_927 = arith.constant 48 : index
        %swap3A_928 = tpu.vector_load %arg6[%swap3A_926, %swap3A_927] {strides = array<i32>} : memref<32x128xi32, #tpu.memory_space<vmem>>, vector<16xi32>,
        tpu.vector_store %arg6[%swap3A_926, %swap3A_927], %add3A_925 {strides = array<i32>} : memref<32x128xi32, #tpu.memory_space<vmem>>, vector<16xi32>,
        %get3A_929 = arith.index_cast %scan3A_11 : i32 to index
        %get3A_930 = arith.constant 64 : index
        %get3A_931 = tpu.vector_load %arg5[%get3A_929, %get3A_930] {strides = array<i32>} : memref<26x128xi32, #tpu.memory_space<vmem>>, vector<16xi32>,
        %shift_right_logical3A_932 = arith.constant 3 : i32
        %shift_right_logical3A_933 = vector.broadcast %shift_right_logical3A_932 : i32 to vector<16xi32>
        %shift_right_logical3A_934 = arith.shrui %get3A_931, %shift_right_logical3A_933 : vector<16xi32>
        %mul3A_935 = arith.constant 12500 : i32
        %mul3A_936 = arith.muli %add3A_877, %mul3A_935 : i32
        %add3A_937 = vector.broadcast %mul3A_936 : i32 to vector<16xi32>
        %add3A_938 = arith.addi %shift_right_logical3A_934, %add3A_937 : vector<16xi32>
        %swap3A_939 = arith.index_cast %scan3A_874 : i32 to index
        %swap3A_940 = arith.constant 64 : index
        %swap3A_941 = tpu.vector_load %arg6[%swap3A_939, %swap3A_940] {strides = array<i32>} : memref<32x128xi32, #tpu.memory_space<vmem>>, vector<16xi32>,
        tpu.vector_store %arg6[%swap3A_939, %swap3A_940], %add3A_938 {strides = array<i32>} : memref<32x128xi32, #tpu.memory_space<vmem>>, vector<16xi32>,
        %get3A_942 = arith.index_cast %scan3A_11 : i32 to index
        %get3A_943 = arith.constant 80 : index
        %get3A_944 = tpu.vector_load %arg5[%get3A_942, %get3A_943] {strides = array<i32>} : memref<26x128xi32, #tpu.memory_space<vmem>>, vector<16xi32>,
        %shift_right_logical3A_945 = arith.constant 3 : i32
        %shift_right_logical3A_946 = vector.broadcast %shift_right_logical3A_945 : i32 to vector<16xi32>
        %shift_right_logical3A_947 = arith.shrui %get3A_944, %shift_right_logical3A_946 : vector<16xi32>
        %mul3A_948 = arith.constant 12500 : i32
        %mul3A_949 = arith.muli %add3A_877, %mul3A_948 : i32
        %add3A_950 = vector.broadcast %mul3A_949 : i32 to vector<16xi32>
        %add3A_951 = arith.addi %shift_right_logical3A_947, %add3A_950 : vector<16xi32>
        %swap3A_952 = arith.index_cast %scan3A_874 : i32 to index
        %swap3A_953 = arith.constant 80 : index
        %swap3A_954 = tpu.vector_load %arg6[%swap3A_952, %swap3A_953] {strides = array<i32>} : memref<32x128xi32, #tpu.memory_space<vmem>>, vector<16xi32>,
        tpu.vector_store %arg6[%swap3A_952, %swap3A_953], %add3A_951 {strides = array<i32>} : memref<32x128xi32, #tpu.memory_space<vmem>>, vector<16xi32>,
        %get3A_955 = arith.index_cast %scan3A_11 : i32 to index
        %get3A_956 = arith.constant 96 : index
        %get3A_957 = tpu.vector_load %arg5[%get3A_955, %get3A_956] {strides = array<i32>} : memref<26x128xi32, #tpu.memory_space<vmem>>, vector<16xi32>,
        %shift_right_logical3A_958 = arith.constant 3 : i32
        %shift_right_logical3A_959 = vector.broadcast %shift_right_logical3A_958 : i32 to vector<16xi32>
        %shift_right_logical3A_960 = arith.shrui %get3A_957, %shift_right_logical3A_959 : vector<16xi32>
        %mul3A_961 = arith.constant 12500 : i32
        %mul3A_962 = arith.muli %add3A_877, %mul3A_961 : i32
        %add3A_963 = vector.broadcast %mul3A_962 : i32 to vector<16xi32>
        %add3A_964 = arith.addi %shift_right_logical3A_960, %add3A_963 : vector<16xi32>
        %swap3A_965 = arith.index_cast %scan3A_874 : i32 to index
        %swap3A_966 = arith.constant 96 : index
        %swap3A_967 = tpu.vector_load %arg6[%swap3A_965, %swap3A_966] {strides = array<i32>} : memref<32x128xi32, #tpu.memory_space<vmem>>, vector<16xi32>,
        tpu.vector_store %arg6[%swap3A_965, %swap3A_966], %add3A_964 {strides = array<i32>} : memref<32x128xi32, #tpu.memory_space<vmem>>, vector<16xi32>,
        %get3A_968 = arith.index_cast %scan3A_11 : i32 to index
        %get3A_969 = arith.constant 112 : index
        %get3A_970 = tpu.vector_load %arg5[%get3A_968, %get3A_969] {strides = array<i32>} : memref<26x128xi32, #tpu.memory_space<vmem>>, vector<16xi32>,
        %shift_right_logical3A_971 = arith.constant 3 : i32
        %shift_right_logical3A_972 = vector.broadcast %shift_right_logical3A_971 : i32 to vector<16xi32>
        %shift_right_logical3A_973 = arith.shrui %get3A_970, %shift_right_logical3A_972 : vector<16xi32>
        %mul3A_974 = arith.constant 12500 : i32
        %mul3A_975 = arith.muli %add3A_877, %mul3A_974 : i32
        %add3A_976 = vector.broadcast %mul3A_975 : i32 to vector<16xi32>
        %add3A_977 = arith.addi %shift_right_logical3A_973, %add3A_976 : vector<16xi32>
        %swap3A_978 = arith.index_cast %scan3A_874 : i32 to index
        %swap3A_979 = arith.constant 112 : index
        %swap3A_980 = tpu.vector_load %arg6[%swap3A_978, %swap3A_979] {strides = array<i32>} : memref<32x128xi32, #tpu.memory_space<vmem>>, vector<16xi32>,
        tpu.vector_store %arg6[%swap3A_978, %swap3A_979], %add3A_977 {strides = array<i32>} : memref<32x128xi32, #tpu.memory_space<vmem>>, vector<16xi32>,
      }
      %scan3A_17 = arith.constant 32 : i32
      %get3A = arith.index_cast %scan3A_11 : i32 to index
      %get3A_18 = arith.constant 0 : index
      %get3A_19 = tpu.vector_load %arg5[%get3A, %get3A_18] {strides = array<i32>} : memref<26x128xi32, #tpu.memory_space<vmem>>, vector<16xi32>,
      %and3A = arith.constant 7 : i32
      %and3A_20 = vector.broadcast %and3A : i32 to vector<16xi32>
      %and3A_21 = arith.andi %get3A_19, %and3A_20 : vector<16xi32>
      %swap3A = arith.constant 0 : i32
      %swap3A_22 = arith.index_cast %swap3A : i32 to index
      %swap3A_23 = arith.constant 0 : index
      %swap3A_24 = tpu.vector_load %arg7[%swap3A_22, %swap3A_23] {strides = array<i32>} : memref<8x16xi32, #tpu.memory_space<vmem>>, vector<16xi32>,
      tpu.vector_store %arg7[%swap3A_22, %swap3A_23], %and3A_21 {strides = array<i32>} : memref<8x16xi32, #tpu.memory_space<vmem>>, vector<16xi32>,
      %get3A_25 = arith.index_cast %scan3A_11 : i32 to index
      %get3A_26 = arith.constant 16 : index
      %get3A_27 = tpu.vector_load %arg5[%get3A_25, %get3A_26] {strides = array<i32>} : memref<26x128xi32, #tpu.memory_space<vmem>>, vector<16xi32>,
      %and3A_28 = arith.constant 7 : i32
      %and3A_29 = vector.broadcast %and3A_28 : i32 to vector<16xi32>
      %and3A_30 = arith.andi %get3A_27, %and3A_29 : vector<16xi32>
      %swap3A_31 = arith.constant 1 : i32
      %swap3A_32 = arith.index_cast %swap3A_31 : i32 to index
      %swap3A_33 = arith.constant 0 : index
      %swap3A_34 = tpu.vector_load %arg7[%swap3A_32, %swap3A_33] {strides = array<i32>} : memref<8x16xi32, #tpu.memory_space<vmem>>, vector<16xi32>,
      tpu.vector_store %arg7[%swap3A_32, %swap3A_33], %and3A_30 {strides = array<i32>} : memref<8x16xi32, #tpu.memory_space<vmem>>, vector<16xi32>,
      %get3A_35 = arith.index_cast %scan3A_11 : i32 to index
      %get3A_36 = arith.constant 32 : index
      %get3A_37 = tpu.vector_load %arg5[%get3A_35, %get3A_36] {strides = array<i32>} : memref<26x128xi32, #tpu.memory_space<vmem>>, vector<16xi32>,
      %and3A_38 = arith.constant 7 : i32
      %and3A_39 = vector.broadcast %and3A_38 : i32 to vector<16xi32>
      %and3A_40 = arith.andi %get3A_37, %and3A_39 : vector<16xi32>
      %swap3A_41 = arith.constant 2 : i32
      %swap3A_42 = arith.index_cast %swap3A_41 : i32 to index
      %swap3A_43 = arith.constant 0 : index
      %swap3A_44 = tpu.vector_load %arg7[%swap3A_42, %swap3A_43] {strides = array<i32>} : memref<8x16xi32, #tpu.memory_space<vmem>>, vector<16xi32>,
      tpu.vector_store %arg7[%swap3A_42, %swap3A_43], %and3A_40 {strides = array<i32>} : memref<8x16xi32, #tpu.memory_space<vmem>>, vector<16xi32>,
      %get3A_45 = arith.index_cast %scan3A_11 : i32 to index
      %get3A_46 = arith.constant 48 : index
      %get3A_47 = tpu.vector_load %arg5[%get3A_45, %get3A_46] {strides = array<i32>} : memref<26x128xi32, #tpu.memory_space<vmem>>, vector<16xi32>,
      %and3A_48 = arith.constant 7 : i32
      %and3A_49 = vector.broadcast %and3A_48 : i32 to vector<16xi32>
      %and3A_50 = arith.andi %get3A_47, %and3A_49 : vector<16xi32>
      %swap3A_51 = arith.constant 3 : i32
      %swap3A_52 = arith.index_cast %swap3A_51 : i32 to index
      %swap3A_53 = arith.constant 0 : index
      %swap3A_54 = tpu.vector_load %arg7[%swap3A_52, %swap3A_53] {strides = array<i32>} : memref<8x16xi32, #tpu.memory_space<vmem>>, vector<16xi32>,
      tpu.vector_store %arg7[%swap3A_52, %swap3A_53], %and3A_50 {strides = array<i32>} : memref<8x16xi32, #tpu.memory_space<vmem>>, vector<16xi32>,
      %get3A_55 = arith.index_cast %scan3A_11 : i32 to index
      %get3A_56 = arith.constant 64 : index
      %get3A_57 = tpu.vector_load %arg5[%get3A_55, %get3A_56] {strides = array<i32>} : memref<26x128xi32, #tpu.memory_space<vmem>>, vector<16xi32>,
      %and3A_58 = arith.constant 7 : i32
      %and3A_59 = vector.broadcast %and3A_58 : i32 to vector<16xi32>
      %and3A_60 = arith.andi %get3A_57, %and3A_59 : vector<16xi32>
      %swap3A_61 = arith.constant 4 : i32
      %swap3A_62 = arith.index_cast %swap3A_61 : i32 to index
      %swap3A_63 = arith.constant 0 : index
      %swap3A_64 = tpu.vector_load %arg7[%swap3A_62, %swap3A_63] {strides = array<i32>} : memref<8x16xi32, #tpu.memory_space<vmem>>, vector<16xi32>,
      tpu.vector_store %arg7[%swap3A_62, %swap3A_63], %and3A_60 {strides = array<i32>} : memref<8x16xi32, #tpu.memory_space<vmem>>, vector<16xi32>,
      %get3A_65 = arith.index_cast %scan3A_11 : i32 to index
      %get3A_66 = arith.constant 80 : index
      %get3A_67 = tpu.vector_load %arg5[%get3A_65, %get3A_66] {strides = array<i32>} : memref<26x128xi32, #tpu.memory_space<vmem>>, vector<16xi32>,
      %and3A_68 = arith.constant 7 : i32
      %and3A_69 = vector.broadcast %and3A_68 : i32 to vector<16xi32>
      %and3A_70 = arith.andi %get3A_67, %and3A_69 : vector<16xi32>
      %swap3A_71 = arith.constant 5 : i32
      %swap3A_72 = arith.index_cast %swap3A_71 : i32 to index
      %swap3A_73 = arith.constant 0 : index
      %swap3A_74 = tpu.vector_load %arg7[%swap3A_72, %swap3A_73] {strides = array<i32>} : memref<8x16xi32, #tpu.memory_space<vmem>>, vector<16xi32>,
      tpu.vector_store %arg7[%swap3A_72, %swap3A_73], %and3A_70 {strides = array<i32>} : memref<8x16xi32, #tpu.memory_space<vmem>>, vector<16xi32>,
      %get3A_75 = arith.index_cast %scan3A_11 : i32 to index
      %get3A_76 = arith.constant 96 : index
      %get3A_77 = tpu.vector_load %arg5[%get3A_75, %get3A_76] {strides = array<i32>} : memref<26x128xi32, #tpu.memory_space<vmem>>, vector<16xi32>,
      %and3A_78 = arith.constant 7 : i32
      %and3A_79 = vector.broadcast %and3A_78 : i32 to vector<16xi32>
      %and3A_80 = arith.andi %get3A_77, %and3A_79 : vector<16xi32>
      %swap3A_81 = arith.constant 6 : i32
      %swap3A_82 = arith.index_cast %swap3A_81 : i32 to index
      %swap3A_83 = arith.constant 0 : index
      %swap3A_84 = tpu.vector_load %arg7[%swap3A_82, %swap3A_83] {strides = array<i32>} : memref<8x16xi32, #tpu.memory_space<vmem>>, vector<16xi32>,
      tpu.vector_store %arg7[%swap3A_82, %swap3A_83], %and3A_80 {strides = array<i32>} : memref<8x16xi32, #tpu.memory_space<vmem>>, vector<16xi32>,
      %get3A_85 = arith.index_cast %scan3A_11 : i32 to index
      %get3A_86 = arith.constant 112 : index
      %get3A_87 = tpu.vector_load %arg5[%get3A_85, %get3A_86] {strides = array<i32>} : memref<26x128xi32, #tpu.memory_space<vmem>>, vector<16xi32>,
      %and3A_88 = arith.constant 7 : i32
      %and3A_89 = vector.broadcast %and3A_88 : i32 to vector<16xi32>
      %and3A_90 = arith.andi %get3A_87, %and3A_89 : vector<16xi32>
      %swap3A_91 = arith.constant 7 : i32
      %swap3A_92 = arith.index_cast %swap3A_91 : i32 to index
      %swap3A_93 = arith.constant 0 : index
      %swap3A_94 = tpu.vector_load %arg7[%swap3A_92, %swap3A_93] {strides = array<i32>} : memref<8x16xi32, #tpu.memory_space<vmem>>, vector<16xi32>,
      tpu.vector_store %arg7[%swap3A_92, %swap3A_93], %and3A_90 {strides = array<i32>} : memref<8x16xi32, #tpu.memory_space<vmem>>, vector<16xi32>,
      %dma_start3A = arith.constant 0 : i32
      %dma_start3A_95 = arith.constant 0 : i32
      %dma_start3A_96 = arith.constant 0 : i32
      %dma_start3A_97 = arith.constant 0 : i32
      %dma_start3A_98 = tpu.memref_slice %arg8[%dma_start3A_95, %dma_start3A_96, %dma_start3A_97] : memref<32x128x8xf32, #tpu.memory_space<vmem>> -> memref<1x128x8xf32, #tpu.memory_space<vmem>>
      %dma_start3A_99 = tpu.memref_squeeze %dma_start3A_98 : memref<1x128x8xf32, #tpu.memory_space<vmem>> -> memref<128x8xf32, #tpu.memory_space<vmem>>
      %dma_start3A_100 = arith.constant 0 : i32
      %dma_start3A_101 = tpu.memref_slice %arg6[%dma_start3A, %dma_start3A_100] : memref<32x128xi32, #tpu.memory_space<vmem>> -> memref<1x128xi32, #tpu.memory_space<vmem>>
      %dma_start3A_102 = tpu.memref_squeeze %dma_start3A_101 : memref<1x128xi32, #tpu.memory_space<vmem>> -> memref<128xi32, #tpu.memory_space<vmem>>
      %dma_start3A_103 = arith.constant 0 : i32
      %dma_start3A_104 = arith.constant 0 : i32
      %dma_start3A_105 = tpu.memref_slice %arg3[%dma_start3A_103, %dma_start3A_104] : memref<10400000x8xf32, #tpu.memory_space<hbm>> -> memref<10400000x8xf32, #tpu.memory_space<hbm>>
      tpu.enqueue_indirect_dma source(%dma_start3A_105 : memref<10400000x8xf32, #tpu.memory_space<hbm>>) target(%dma_start3A_99 : memref<128x8xf32, #tpu.memory_space<vmem>>) offsets(%dma_start3A_102 : memref<128xi32, #tpu.memory_space<vmem>>) semaphore(%arg10 : memref<!tpu.dma_semaphore, #tpu.memory_space<semaphore_mem>>)
      %dma_start3A_106 = arith.constant 1 : i32
      %dma_start3A_107 = arith.constant 1 : i32
      %dma_start3A_108 = arith.constant 0 : i32
      %dma_start3A_109 = arith.constant 0 : i32
      %dma_start3A_110 = tpu.memref_slice %arg8[%dma_start3A_107, %dma_start3A_108, %dma_start3A_109] : memref<32x128x8xf32, #tpu.memory_space<vmem>> -> memref<1x128x8xf32, #tpu.memory_space<vmem>>
      %dma_start3A_111 = tpu.memref_squeeze %dma_start3A_110 : memref<1x128x8xf32, #tpu.memory_space<vmem>> -> memref<128x8xf32, #tpu.memory_space<vmem>>
      %dma_start3A_112 = arith.constant 0 : i32
      %dma_start3A_113 = tpu.memref_slice %arg6[%dma_start3A_106, %dma_start3A_112] : memref<32x128xi32, #tpu.memory_space<vmem>> -> memref<1x128xi32, #tpu.memory_space<vmem>>
      %dma_start3A_114 = tpu.memref_squeeze %dma_start3A_113 : memref<1x128xi32, #tpu.memory_space<vmem>> -> memref<128xi32, #tpu.memory_space<vmem>>
      %dma_start3A_115 = arith.constant 0 : i32
      %dma_start3A_116 = arith.constant 0 : i32
      %dma_start3A_117 = tpu.memref_slice %arg3[%dma_start3A_115, %dma_start3A_116] : memref<10400000x8xf32, #tpu.memory_space<hbm>> -> memref<10400000x8xf32, #tpu.memory_space<hbm>>
      tpu.enqueue_indirect_dma source(%dma_start3A_117 : memref<10400000x8xf32, #tpu.memory_space<hbm>>) target(%dma_start3A_111 : memref<128x8xf32, #tpu.memory_space<vmem>>) offsets(%dma_start3A_114 : memref<128xi32, #tpu.memory_space<vmem>>) semaphore(%arg10 : memref<!tpu.dma_semaphore, #tpu.memory_space<semaphore_mem>>)
      %dma_start3A_118 = arith.constant 2 : i32
      %dma_start3A_119 = arith.constant 2 : i32
      %dma_start3A_120 = arith.constant 0 : i32
      %dma_start3A_121 = arith.constant 0 : i32
      %dma_start3A_122 = tpu.memref_slice %arg8[%dma_start3A_119, %dma_start3A_120, %dma_start3A_121] : memref<32x128x8xf32, #tpu.memory_space<vmem>> -> memref<1x128x8xf32, #tpu.memory_space<vmem>>
      %dma_start3A_123 = tpu.memref_squeeze %dma_start3A_122 : memref<1x128x8xf32, #tpu.memory_space<vmem>> -> memref<128x8xf32, #tpu.memory_space<vmem>>
      %dma_start3A_124 = arith.constant 0 : i32
      %dma_start3A_125 = tpu.memref_slice %arg6[%dma_start3A_118, %dma_start3A_124] : memref<32x128xi32, #tpu.memory_space<vmem>> -> memref<1x128xi32, #tpu.memory_space<vmem>>
      %dma_start3A_126 = tpu.memref_squeeze %dma_start3A_125 : memref<1x128xi32, #tpu.memory_space<vmem>> -> memref<128xi32, #tpu.memory_space<vmem>>
      %dma_start3A_127 = arith.constant 0 : i32
      %dma_start3A_128 = arith.constant 0 : i32
      %dma_start3A_129 = tpu.memref_slice %arg3[%dma_start3A_127, %dma_start3A_128] : memref<10400000x8xf32, #tpu.memory_space<hbm>> -> memref<10400000x8xf32, #tpu.memory_space<hbm>>
      tpu.enqueue_indirect_dma source(%dma_start3A_129 : memref<10400000x8xf32, #tpu.memory_space<hbm>>) target(%dma_start3A_123 : memref<128x8xf32, #tpu.memory_space<vmem>>) offsets(%dma_start3A_126 : memref<128xi32, #tpu.memory_space<vmem>>) semaphore(%arg10 : memref<!tpu.dma_semaphore, #tpu.memory_space<semaphore_mem>>)
      %dma_start3A_130 = arith.constant 3 : i32
      %dma_start3A_131 = arith.constant 3 : i32
      %dma_start3A_132 = arith.constant 0 : i32
      %dma_start3A_133 = arith.constant 0 : i32
      %dma_start3A_134 = tpu.memref_slice %arg8[%dma_start3A_131, %dma_start3A_132, %dma_start3A_133] : memref<32x128x8xf32, #tpu.memory_space<vmem>> -> memref<1x128x8xf32, #tpu.memory_space<vmem>>
      %dma_start3A_135 = tpu.memref_squeeze %dma_start3A_134 : memref<1x128x8xf32, #tpu.memory_space<vmem>> -> memref<128x8xf32, #tpu.memory_space<vmem>>
      %dma_start3A_136 = arith.constant 0 : i32
      %dma_start3A_137 = tpu.memref_slice %arg6[%dma_start3A_130, %dma_start3A_136] : memref<32x128xi32, #tpu.memory_space<vmem>> -> memref<1x128xi32, #tpu.memory_space<vmem>>
      %dma_start3A_138 = tpu.memref_squeeze %dma_start3A_137 : memref<1x128xi32, #tpu.memory_space<vmem>> -> memref<128xi32, #tpu.memory_space<vmem>>
      %dma_start3A_139 = arith.constant 0 : i32
      %dma_start3A_140 = arith.constant 0 : i32
      %dma_start3A_141 = tpu.memref_slice %arg3[%dma_start3A_139, %dma_start3A_140] : memref<10400000x8xf32, #tpu.memory_space<hbm>> -> memref<10400000x8xf32, #tpu.memory_space<hbm>>
      tpu.enqueue_indirect_dma source(%dma_start3A_141 : memref<10400000x8xf32, #tpu.memory_space<hbm>>) target(%dma_start3A_135 : memref<128x8xf32, #tpu.memory_space<vmem>>) offsets(%dma_start3A_138 : memref<128xi32, #tpu.memory_space<vmem>>) semaphore(%arg10 : memref<!tpu.dma_semaphore, #tpu.memory_space<semaphore_mem>>)
      %dma_start3A_142 = arith.constant 4 : i32
      %dma_start3A_143 = arith.constant 4 : i32
      %dma_start3A_144 = arith.constant 0 : i32
      %dma_start3A_145 = arith.constant 0 : i32
      %dma_start3A_146 = tpu.memref_slice %arg8[%dma_start3A_143, %dma_start3A_144, %dma_start3A_145] : memref<32x128x8xf32, #tpu.memory_space<vmem>> -> memref<1x128x8xf32, #tpu.memory_space<vmem>>
      %dma_start3A_147 = tpu.memref_squeeze %dma_start3A_146 : memref<1x128x8xf32, #tpu.memory_space<vmem>> -> memref<128x8xf32, #tpu.memory_space<vmem>>
      %dma_start3A_148 = arith.constant 0 : i32
      %dma_start3A_149 = tpu.memref_slice %arg6[%dma_start3A_142, %dma_start3A_148] : memref<32x128xi32, #tpu.memory_space<vmem>> -> memref<1x128xi32, #tpu.memory_space<vmem>>
      %dma_start3A_150 = tpu.memref_squeeze %dma_start3A_149 : memref<1x128xi32, #tpu.memory_space<vmem>> -> memref<128xi32, #tpu.memory_space<vmem>>
      %dma_start3A_151 = arith.constant 0 : i32
      %dma_start3A_152 = arith.constant 0 : i32
      %dma_start3A_153 = tpu.memref_slice %arg3[%dma_start3A_151, %dma_start3A_152] : memref<10400000x8xf32, #tpu.memory_space<hbm>> -> memref<10400000x8xf32, #tpu.memory_space<hbm>>
      tpu.enqueue_indirect_dma source(%dma_start3A_153 : memref<10400000x8xf32, #tpu.memory_space<hbm>>) target(%dma_start3A_147 : memref<128x8xf32, #tpu.memory_space<vmem>>) offsets(%dma_start3A_150 : memref<128xi32, #tpu.memory_space<vmem>>) semaphore(%arg10 : memref<!tpu.dma_semaphore, #tpu.memory_space<semaphore_mem>>)
      %dma_start3A_154 = arith.constant 5 : i32
      %dma_start3A_155 = arith.constant 5 : i32
      %dma_start3A_156 = arith.constant 0 : i32
      %dma_start3A_157 = arith.constant 0 : i32
      %dma_start3A_158 = tpu.memref_slice %arg8[%dma_start3A_155, %dma_start3A_156, %dma_start3A_157] : memref<32x128x8xf32, #tpu.memory_space<vmem>> -> memref<1x128x8xf32, #tpu.memory_space<vmem>>
      %dma_start3A_159 = tpu.memref_squeeze %dma_start3A_158 : memref<1x128x8xf32, #tpu.memory_space<vmem>> -> memref<128x8xf32, #tpu.memory_space<vmem>>
      %dma_start3A_160 = arith.constant 0 : i32
      %dma_start3A_161 = tpu.memref_slice %arg6[%dma_start3A_154, %dma_start3A_160] : memref<32x128xi32, #tpu.memory_space<vmem>> -> memref<1x128xi32, #tpu.memory_space<vmem>>
      %dma_start3A_162 = tpu.memref_squeeze %dma_start3A_161 : memref<1x128xi32, #tpu.memory_space<vmem>> -> memref<128xi32, #tpu.memory_space<vmem>>
      %dma_start3A_163 = arith.constant 0 : i32
      %dma_start3A_164 = arith.constant 0 : i32
      %dma_start3A_165 = tpu.memref_slice %arg3[%dma_start3A_163, %dma_start3A_164] : memref<10400000x8xf32, #tpu.memory_space<hbm>> -> memref<10400000x8xf32, #tpu.memory_space<hbm>>
      tpu.enqueue_indirect_dma source(%dma_start3A_165 : memref<10400000x8xf32, #tpu.memory_space<hbm>>) target(%dma_start3A_159 : memref<128x8xf32, #tpu.memory_space<vmem>>) offsets(%dma_start3A_162 : memref<128xi32, #tpu.memory_space<vmem>>) semaphore(%arg10 : memref<!tpu.dma_semaphore, #tpu.memory_space<semaphore_mem>>)
      %dma_start3A_166 = arith.constant 6 : i32
      %dma_start3A_167 = arith.constant 6 : i32
      %dma_start3A_168 = arith.constant 0 : i32
      %dma_start3A_169 = arith.constant 0 : i32
      %dma_start3A_170 = tpu.memref_slice %arg8[%dma_start3A_167, %dma_start3A_168, %dma_start3A_169] : memref<32x128x8xf32, #tpu.memory_space<vmem>> -> memref<1x128x8xf32, #tpu.memory_space<vmem>>
      %dma_start3A_171 = tpu.memref_squeeze %dma_start3A_170 : memref<1x128x8xf32, #tpu.memory_space<vmem>> -> memref<128x8xf32, #tpu.memory_space<vmem>>
      %dma_start3A_172 = arith.constant 0 : i32
      %dma_start3A_173 = tpu.memref_slice %arg6[%dma_start3A_166, %dma_start3A_172] : memref<32x128xi32, #tpu.memory_space<vmem>> -> memref<1x128xi32, #tpu.memory_space<vmem>>
      %dma_start3A_174 = tpu.memref_squeeze %dma_start3A_173 : memref<1x128xi32, #tpu.memory_space<vmem>> -> memref<128xi32, #tpu.memory_space<vmem>>
      %dma_start3A_175 = arith.constant 0 : i32
      %dma_start3A_176 = arith.constant 0 : i32
      %dma_start3A_177 = tpu.memref_slice %arg3[%dma_start3A_175, %dma_start3A_176] : memref<10400000x8xf32, #tpu.memory_space<hbm>> -> memref<10400000x8xf32, #tpu.memory_space<hbm>>
      tpu.enqueue_indirect_dma source(%dma_start3A_177 : memref<10400000x8xf32, #tpu.memory_space<hbm>>) target(%dma_start3A_171 : memref<128x8xf32, #tpu.memory_space<vmem>>) offsets(%dma_start3A_174 : memref<128xi32, #tpu.memory_space<vmem>>) semaphore(%arg10 : memref<!tpu.dma_semaphore, #tpu.memory_space<semaphore_mem>>)
      %dma_start3A_178 = arith.constant 7 : i32
      %dma_start3A_179 = arith.constant 7 : i32
      %dma_start3A_180 = arith.constant 0 : i32
      %dma_start3A_181 = arith.constant 0 : i32
      %dma_start3A_182 = tpu.memref_slice %arg8[%dma_start3A_179, %dma_start3A_180, %dma_start3A_181] : memref<32x128x8xf32, #tpu.memory_space<vmem>> -> memref<1x128x8xf32, #tpu.memory_space<vmem>>
      %dma_start3A_183 = tpu.memref_squeeze %dma_start3A_182 : memref<1x128x8xf32, #tpu.memory_space<vmem>> -> memref<128x8xf32, #tpu.memory_space<vmem>>
      %dma_start3A_184 = arith.constant 0 : i32
      %dma_start3A_185 = tpu.memref_slice %arg6[%dma_start3A_178, %dma_start3A_184] : memref<32x128xi32, #tpu.memory_space<vmem>> -> memref<1x128xi32, #tpu.memory_space<vmem>>
      %dma_start3A_186 = tpu.memref_squeeze %dma_start3A_185 : memref<1x128xi32, #tpu.memory_space<vmem>> -> memref<128xi32, #tpu.memory_space<vmem>>
      %dma_start3A_187 = arith.constant 0 : i32
      %dma_start3A_188 = arith.constant 0 : i32
      %dma_start3A_189 = tpu.memref_slice %arg3[%dma_start3A_187, %dma_start3A_188] : memref<10400000x8xf32, #tpu.memory_space<hbm>> -> memref<10400000x8xf32, #tpu.memory_space<hbm>>
      tpu.enqueue_indirect_dma source(%dma_start3A_189 : memref<10400000x8xf32, #tpu.memory_space<hbm>>) target(%dma_start3A_183 : memref<128x8xf32, #tpu.memory_space<vmem>>) offsets(%dma_start3A_186 : memref<128xi32, #tpu.memory_space<vmem>>) semaphore(%arg10 : memref<!tpu.dma_semaphore, #tpu.memory_space<semaphore_mem>>)
      %dma_start3A_190 = arith.constant 8 : i32
      %dma_start3A_191 = arith.constant 8 : i32
      %dma_start3A_192 = arith.constant 0 : i32
      %dma_start3A_193 = arith.constant 0 : i32
      %dma_start3A_194 = tpu.memref_slice %arg8[%dma_start3A_191, %dma_start3A_192, %dma_start3A_193] : memref<32x128x8xf32, #tpu.memory_space<vmem>> -> memref<1x128x8xf32, #tpu.memory_space<vmem>>
      %dma_start3A_195 = tpu.memref_squeeze %dma_start3A_194 : memref<1x128x8xf32, #tpu.memory_space<vmem>> -> memref<128x8xf32, #tpu.memory_space<vmem>>
      %dma_start3A_196 = arith.constant 0 : i32
      %dma_start3A_197 = tpu.memref_slice %arg6[%dma_start3A_190, %dma_start3A_196] : memref<32x128xi32, #tpu.memory_space<vmem>> -> memref<1x128xi32, #tpu.memory_space<vmem>>
      %dma_start3A_198 = tpu.memref_squeeze %dma_start3A_197 : memref<1x128xi32, #tpu.memory_space<vmem>> -> memref<128xi32, #tpu.memory_space<vmem>>
      %dma_start3A_199 = arith.constant 0 : i32
      %dma_start3A_200 = arith.constant 0 : i32
      %dma_start3A_201 = tpu.memref_slice %arg3[%dma_start3A_199, %dma_start3A_200] : memref<10400000x8xf32, #tpu.memory_space<hbm>> -> memref<10400000x8xf32, #tpu.memory_space<hbm>>
      tpu.enqueue_indirect_dma source(%dma_start3A_201 : memref<10400000x8xf32, #tpu.memory_space<hbm>>) target(%dma_start3A_195 : memref<128x8xf32, #tpu.memory_space<vmem>>) offsets(%dma_start3A_198 : memref<128xi32, #tpu.memory_space<vmem>>) semaphore(%arg10 : memref<!tpu.dma_semaphore, #tpu.memory_space<semaphore_mem>>)
      %dma_start3A_202 = arith.constant 9 : i32
      %dma_start3A_203 = arith.constant 9 : i32
      %dma_start3A_204 = arith.constant 0 : i32
      %dma_start3A_205 = arith.constant 0 : i32
      %dma_start3A_206 = tpu.memref_slice %arg8[%dma_start3A_203, %dma_start3A_204, %dma_start3A_205] : memref<32x128x8xf32, #tpu.memory_space<vmem>> -> memref<1x128x8xf32, #tpu.memory_space<vmem>>
      %dma_start3A_207 = tpu.memref_squeeze %dma_start3A_206 : memref<1x128x8xf32, #tpu.memory_space<vmem>> -> memref<128x8xf32, #tpu.memory_space<vmem>>
      %dma_start3A_208 = arith.constant 0 : i32
      %dma_start3A_209 = tpu.memref_slice %arg6[%dma_start3A_202, %dma_start3A_208] : memref<32x128xi32, #tpu.memory_space<vmem>> -> memref<1x128xi32, #tpu.memory_space<vmem>>
      %dma_start3A_210 = tpu.memref_squeeze %dma_start3A_209 : memref<1x128xi32, #tpu.memory_space<vmem>> -> memref<128xi32, #tpu.memory_space<vmem>>
      %dma_start3A_211 = arith.constant 0 : i32
      %dma_start3A_212 = arith.constant 0 : i32
      %dma_start3A_213 = tpu.memref_slice %arg3[%dma_start3A_211, %dma_start3A_212] : memref<10400000x8xf32, #tpu.memory_space<hbm>> -> memref<10400000x8xf32, #tpu.memory_space<hbm>>
      tpu.enqueue_indirect_dma source(%dma_start3A_213 : memref<10400000x8xf32, #tpu.memory_space<hbm>>) target(%dma_start3A_207 : memref<128x8xf32, #tpu.memory_space<vmem>>) offsets(%dma_start3A_210 : memref<128xi32, #tpu.memory_space<vmem>>) semaphore(%arg10 : memref<!tpu.dma_semaphore, #tpu.memory_space<semaphore_mem>>)
      %dma_start3A_214 = arith.constant 10 : i32
      %dma_start3A_215 = arith.constant 10 : i32
      %dma_start3A_216 = arith.constant 0 : i32
      %dma_start3A_217 = arith.constant 0 : i32
      %dma_start3A_218 = tpu.memref_slice %arg8[%dma_start3A_215, %dma_start3A_216, %dma_start3A_217] : memref<32x128x8xf32, #tpu.memory_space<vmem>> -> memref<1x128x8xf32, #tpu.memory_space<vmem>>
      %dma_start3A_219 = tpu.memref_squeeze %dma_start3A_218 : memref<1x128x8xf32, #tpu.memory_space<vmem>> -> memref<128x8xf32, #tpu.memory_space<vmem>>
      %dma_start3A_220 = arith.constant 0 : i32
      %dma_start3A_221 = tpu.memref_slice %arg6[%dma_start3A_214, %dma_start3A_220] : memref<32x128xi32, #tpu.memory_space<vmem>> -> memref<1x128xi32, #tpu.memory_space<vmem>>
      %dma_start3A_222 = tpu.memref_squeeze %dma_start3A_221 : memref<1x128xi32, #tpu.memory_space<vmem>> -> memref<128xi32, #tpu.memory_space<vmem>>
      %dma_start3A_223 = arith.constant 0 : i32
      %dma_start3A_224 = arith.constant 0 : i32
      %dma_start3A_225 = tpu.memref_slice %arg3[%dma_start3A_223, %dma_start3A_224] : memref<10400000x8xf32, #tpu.memory_space<hbm>> -> memref<10400000x8xf32, #tpu.memory_space<hbm>>
      tpu.enqueue_indirect_dma source(%dma_start3A_225 : memref<10400000x8xf32, #tpu.memory_space<hbm>>) target(%dma_start3A_219 : memref<128x8xf32, #tpu.memory_space<vmem>>) offsets(%dma_start3A_222 : memref<128xi32, #tpu.memory_space<vmem>>) semaphore(%arg10 : memref<!tpu.dma_semaphore, #tpu.memory_space<semaphore_mem>>)
      %dma_start3A_226 = arith.constant 11 : i32
      %dma_start3A_227 = arith.constant 11 : i32
      %dma_start3A_228 = arith.constant 0 : i32
      %dma_start3A_229 = arith.constant 0 : i32
      %dma_start3A_230 = tpu.memref_slice %arg8[%dma_start3A_227, %dma_start3A_228, %dma_start3A_229] : memref<32x128x8xf32, #tpu.memory_space<vmem>> -> memref<1x128x8xf32, #tpu.memory_space<vmem>>
      %dma_start3A_231 = tpu.memref_squeeze %dma_start3A_230 : memref<1x128x8xf32, #tpu.memory_space<vmem>> -> memref<128x8xf32, #tpu.memory_space<vmem>>
      %dma_start3A_232 = arith.constant 0 : i32
      %dma_start3A_233 = tpu.memref_slice %arg6[%dma_start3A_226, %dma_start3A_232] : memref<32x128xi32, #tpu.memory_space<vmem>> -> memref<1x128xi32, #tpu.memory_space<vmem>>
      %dma_start3A_234 = tpu.memref_squeeze %dma_start3A_233 : memref<1x128xi32, #tpu.memory_space<vmem>> -> memref<128xi32, #tpu.memory_space<vmem>>
      %dma_start3A_235 = arith.constant 0 : i32
      %dma_start3A_236 = arith.constant 0 : i32
      %dma_start3A_237 = tpu.memref_slice %arg3[%dma_start3A_235, %dma_start3A_236] : memref<10400000x8xf32, #tpu.memory_space<hbm>> -> memref<10400000x8xf32, #tpu.memory_space<hbm>>
      tpu.enqueue_indirect_dma source(%dma_start3A_237 : memref<10400000x8xf32, #tpu.memory_space<hbm>>) target(%dma_start3A_231 : memref<128x8xf32, #tpu.memory_space<vmem>>) offsets(%dma_start3A_234 : memref<128xi32, #tpu.memory_space<vmem>>) semaphore(%arg10 : memref<!tpu.dma_semaphore, #tpu.memory_space<semaphore_mem>>)
      %dma_start3A_238 = arith.constant 12 : i32
      %dma_start3A_239 = arith.constant 12 : i32
      %dma_start3A_240 = arith.constant 0 : i32
      %dma_start3A_241 = arith.constant 0 : i32
      %dma_start3A_242 = tpu.memref_slice %arg8[%dma_start3A_239, %dma_start3A_240, %dma_start3A_241] : memref<32x128x8xf32, #tpu.memory_space<vmem>> -> memref<1x128x8xf32, #tpu.memory_space<vmem>>
      %dma_start3A_243 = tpu.memref_squeeze %dma_start3A_242 : memref<1x128x8xf32, #tpu.memory_space<vmem>> -> memref<128x8xf32, #tpu.memory_space<vmem>>
      %dma_start3A_244 = arith.constant 0 : i32
      %dma_start3A_245 = tpu.memref_slice %arg6[%dma_start3A_238, %dma_start3A_244] : memref<32x128xi32, #tpu.memory_space<vmem>> -> memref<1x128xi32, #tpu.memory_space<vmem>>
      %dma_start3A_246 = tpu.memref_squeeze %dma_start3A_245 : memref<1x128xi32, #tpu.memory_space<vmem>> -> memref<128xi32, #tpu.memory_space<vmem>>
      %dma_start3A_247 = arith.constant 0 : i32
      %dma_start3A_248 = arith.constant 0 : i32
      %dma_start3A_249 = tpu.memref_slice %arg3[%dma_start3A_247, %dma_start3A_248] : memref<10400000x8xf32, #tpu.memory_space<hbm>> -> memref<10400000x8xf32, #tpu.memory_space<hbm>>
      tpu.enqueue_indirect_dma source(%dma_start3A_249 : memref<10400000x8xf32, #tpu.memory_space<hbm>>) target(%dma_start3A_243 : memref<128x8xf32, #tpu.memory_space<vmem>>) offsets(%dma_start3A_246 : memref<128xi32, #tpu.memory_space<vmem>>) semaphore(%arg10 : memref<!tpu.dma_semaphore, #tpu.memory_space<semaphore_mem>>)
      %dma_start3A_250 = arith.constant 13 : i32
      %dma_start3A_251 = arith.constant 13 : i32
      %dma_start3A_252 = arith.constant 0 : i32
      %dma_start3A_253 = arith.constant 0 : i32
      %dma_start3A_254 = tpu.memref_slice %arg8[%dma_start3A_251, %dma_start3A_252, %dma_start3A_253] : memref<32x128x8xf32, #tpu.memory_space<vmem>> -> memref<1x128x8xf32, #tpu.memory_space<vmem>>
      %dma_start3A_255 = tpu.memref_squeeze %dma_start3A_254 : memref<1x128x8xf32, #tpu.memory_space<vmem>> -> memref<128x8xf32, #tpu.memory_space<vmem>>
      %dma_start3A_256 = arith.constant 0 : i32
      %dma_start3A_257 = tpu.memref_slice %arg6[%dma_start3A_250, %dma_start3A_256] : memref<32x128xi32, #tpu.memory_space<vmem>> -> memref<1x128xi32, #tpu.memory_space<vmem>>
      %dma_start3A_258 = tpu.memref_squeeze %dma_start3A_257 : memref<1x128xi32, #tpu.memory_space<vmem>> -> memref<128xi32, #tpu.memory_space<vmem>>
      %dma_start3A_259 = arith.constant 0 : i32
      %dma_start3A_260 = arith.constant 0 : i32
      %dma_start3A_261 = tpu.memref_slice %arg3[%dma_start3A_259, %dma_start3A_260] : memref<10400000x8xf32, #tpu.memory_space<hbm>> -> memref<10400000x8xf32, #tpu.memory_space<hbm>>
      tpu.enqueue_indirect_dma source(%dma_start3A_261 : memref<10400000x8xf32, #tpu.memory_space<hbm>>) target(%dma_start3A_255 : memref<128x8xf32, #tpu.memory_space<vmem>>) offsets(%dma_start3A_258 : memref<128xi32, #tpu.memory_space<vmem>>) semaphore(%arg10 : memref<!tpu.dma_semaphore, #tpu.memory_space<semaphore_mem>>)
      %dma_start3A_262 = arith.constant 14 : i32
      %dma_start3A_263 = arith.constant 14 : i32
      %dma_start3A_264 = arith.constant 0 : i32
      %dma_start3A_265 = arith.constant 0 : i32
      %dma_start3A_266 = tpu.memref_slice %arg8[%dma_start3A_263, %dma_start3A_264, %dma_start3A_265] : memref<32x128x8xf32, #tpu.memory_space<vmem>> -> memref<1x128x8xf32, #tpu.memory_space<vmem>>
      %dma_start3A_267 = tpu.memref_squeeze %dma_start3A_266 : memref<1x128x8xf32, #tpu.memory_space<vmem>> -> memref<128x8xf32, #tpu.memory_space<vmem>>
      %dma_start3A_268 = arith.constant 0 : i32
      %dma_start3A_269 = tpu.memref_slice %arg6[%dma_start3A_262, %dma_start3A_268] : memref<32x128xi32, #tpu.memory_space<vmem>> -> memref<1x128xi32, #tpu.memory_space<vmem>>
      %dma_start3A_270 = tpu.memref_squeeze %dma_start3A_269 : memref<1x128xi32, #tpu.memory_space<vmem>> -> memref<128xi32, #tpu.memory_space<vmem>>
      %dma_start3A_271 = arith.constant 0 : i32
      %dma_start3A_272 = arith.constant 0 : i32
      %dma_start3A_273 = tpu.memref_slice %arg3[%dma_start3A_271, %dma_start3A_272] : memref<10400000x8xf32, #tpu.memory_space<hbm>> -> memref<10400000x8xf32, #tpu.memory_space<hbm>>
      tpu.enqueue_indirect_dma source(%dma_start3A_273 : memref<10400000x8xf32, #tpu.memory_space<hbm>>) target(%dma_start3A_267 : memref<128x8xf32, #tpu.memory_space<vmem>>) offsets(%dma_start3A_270 : memref<128xi32, #tpu.memory_space<vmem>>) semaphore(%arg10 : memref<!tpu.dma_semaphore, #tpu.memory_space<semaphore_mem>>)
      %dma_start3A_274 = arith.constant 15 : i32
      %dma_start3A_275 = arith.constant 15 : i32
      %dma_start3A_276 = arith.constant 0 : i32
      %dma_start3A_277 = arith.constant 0 : i32
      %dma_start3A_278 = tpu.memref_slice %arg8[%dma_start3A_275, %dma_start3A_276, %dma_start3A_277] : memref<32x128x8xf32, #tpu.memory_space<vmem>> -> memref<1x128x8xf32, #tpu.memory_space<vmem>>
      %dma_start3A_279 = tpu.memref_squeeze %dma_start3A_278 : memref<1x128x8xf32, #tpu.memory_space<vmem>> -> memref<128x8xf32, #tpu.memory_space<vmem>>
      %dma_start3A_280 = arith.constant 0 : i32
      %dma_start3A_281 = tpu.memref_slice %arg6[%dma_start3A_274, %dma_start3A_280] : memref<32x128xi32, #tpu.memory_space<vmem>> -> memref<1x128xi32, #tpu.memory_space<vmem>>
      %dma_start3A_282 = tpu.memref_squeeze %dma_start3A_281 : memref<1x128xi32, #tpu.memory_space<vmem>> -> memref<128xi32, #tpu.memory_space<vmem>>
      %dma_start3A_283 = arith.constant 0 : i32
      %dma_start3A_284 = arith.constant 0 : i32
      %dma_start3A_285 = tpu.memref_slice %arg3[%dma_start3A_283, %dma_start3A_284] : memref<10400000x8xf32, #tpu.memory_space<hbm>> -> memref<10400000x8xf32, #tpu.memory_space<hbm>>
      tpu.enqueue_indirect_dma source(%dma_start3A_285 : memref<10400000x8xf32, #tpu.memory_space<hbm>>) target(%dma_start3A_279 : memref<128x8xf32, #tpu.memory_space<vmem>>) offsets(%dma_start3A_282 : memref<128xi32, #tpu.memory_space<vmem>>) semaphore(%arg10 : memref<!tpu.dma_semaphore, #tpu.memory_space<semaphore_mem>>)
      %dma_start3A_286 = arith.constant 16 : i32
      %dma_start3A_287 = arith.constant 16 : i32
      %dma_start3A_288 = arith.constant 0 : i32
      %dma_start3A_289 = arith.constant 0 : i32
      %dma_start3A_290 = tpu.memref_slice %arg8[%dma_start3A_287, %dma_start3A_288, %dma_start3A_289] : memref<32x128x8xf32, #tpu.memory_space<vmem>> -> memref<1x128x8xf32, #tpu.memory_space<vmem>>
      %dma_start3A_291 = tpu.memref_squeeze %dma_start3A_290 : memref<1x128x8xf32, #tpu.memory_space<vmem>> -> memref<128x8xf32, #tpu.memory_space<vmem>>
      %dma_start3A_292 = arith.constant 0 : i32
      %dma_start3A_293 = tpu.memref_slice %arg6[%dma_start3A_286, %dma_start3A_292] : memref<32x128xi32, #tpu.memory_space<vmem>> -> memref<1x128xi32, #tpu.memory_space<vmem>>
      %dma_start3A_294 = tpu.memref_squeeze %dma_start3A_293 : memref<1x128xi32, #tpu.memory_space<vmem>> -> memref<128xi32, #tpu.memory_space<vmem>>
      %dma_start3A_295 = arith.constant 0 : i32
      %dma_start3A_296 = arith.constant 0 : i32
      %dma_start3A_297 = tpu.memref_slice %arg3[%dma_start3A_295, %dma_start3A_296] : memref<10400000x8xf32, #tpu.memory_space<hbm>> -> memref<10400000x8xf32, #tpu.memory_space<hbm>>
      tpu.enqueue_indirect_dma source(%dma_start3A_297 : memref<10400000x8xf32, #tpu.memory_space<hbm>>) target(%dma_start3A_291 : memref<128x8xf32, #tpu.memory_space<vmem>>) offsets(%dma_start3A_294 : memref<128xi32, #tpu.memory_space<vmem>>) semaphore(%arg10 : memref<!tpu.dma_semaphore, #tpu.memory_space<semaphore_mem>>)
      %dma_start3A_298 = arith.constant 17 : i32
      %dma_start3A_299 = arith.constant 17 : i32
      %dma_start3A_300 = arith.constant 0 : i32
      %dma_start3A_301 = arith.constant 0 : i32
      %dma_start3A_302 = tpu.memref_slice %arg8[%dma_start3A_299, %dma_start3A_300, %dma_start3A_301] : memref<32x128x8xf32, #tpu.memory_space<vmem>> -> memref<1x128x8xf32, #tpu.memory_space<vmem>>
      %dma_start3A_303 = tpu.memref_squeeze %dma_start3A_302 : memref<1x128x8xf32, #tpu.memory_space<vmem>> -> memref<128x8xf32, #tpu.memory_space<vmem>>
      %dma_start3A_304 = arith.constant 0 : i32
      %dma_start3A_305 = tpu.memref_slice %arg6[%dma_start3A_298, %dma_start3A_304] : memref<32x128xi32, #tpu.memory_space<vmem>> -> memref<1x128xi32, #tpu.memory_space<vmem>>
      %dma_start3A_306 = tpu.memref_squeeze %dma_start3A_305 : memref<1x128xi32, #tpu.memory_space<vmem>> -> memref<128xi32, #tpu.memory_space<vmem>>
      %dma_start3A_307 = arith.constant 0 : i32
      %dma_start3A_308 = arith.constant 0 : i32
      %dma_start3A_309 = tpu.memref_slice %arg3[%dma_start3A_307, %dma_start3A_308] : memref<10400000x8xf32, #tpu.memory_space<hbm>> -> memref<10400000x8xf32, #tpu.memory_space<hbm>>
      tpu.enqueue_indirect_dma source(%dma_start3A_309 : memref<10400000x8xf32, #tpu.memory_space<hbm>>) target(%dma_start3A_303 : memref<128x8xf32, #tpu.memory_space<vmem>>) offsets(%dma_start3A_306 : memref<128xi32, #tpu.memory_space<vmem>>) semaphore(%arg10 : memref<!tpu.dma_semaphore, #tpu.memory_space<semaphore_mem>>)
      %dma_start3A_310 = arith.constant 18 : i32
      %dma_start3A_311 = arith.constant 18 : i32
      %dma_start3A_312 = arith.constant 0 : i32
      %dma_start3A_313 = arith.constant 0 : i32
      %dma_start3A_314 = tpu.memref_slice %arg8[%dma_start3A_311, %dma_start3A_312, %dma_start3A_313] : memref<32x128x8xf32, #tpu.memory_space<vmem>> -> memref<1x128x8xf32, #tpu.memory_space<vmem>>
      %dma_start3A_315 = tpu.memref_squeeze %dma_start3A_314 : memref<1x128x8xf32, #tpu.memory_space<vmem>> -> memref<128x8xf32, #tpu.memory_space<vmem>>
      %dma_start3A_316 = arith.constant 0 : i32
      %dma_start3A_317 = tpu.memref_slice %arg6[%dma_start3A_310, %dma_start3A_316] : memref<32x128xi32, #tpu.memory_space<vmem>> -> memref<1x128xi32, #tpu.memory_space<vmem>>
      %dma_start3A_318 = tpu.memref_squeeze %dma_start3A_317 : memref<1x128xi32, #tpu.memory_space<vmem>> -> memref<128xi32, #tpu.memory_space<vmem>>
      %dma_start3A_319 = arith.constant 0 : i32
      %dma_start3A_320 = arith.constant 0 : i32
      %dma_start3A_321 = tpu.memref_slice %arg3[%dma_start3A_319, %dma_start3A_320] : memref<10400000x8xf32, #tpu.memory_space<hbm>> -> memref<10400000x8xf32, #tpu.memory_space<hbm>>
      tpu.enqueue_indirect_dma source(%dma_start3A_321 : memref<10400000x8xf32, #tpu.memory_space<hbm>>) target(%dma_start3A_315 : memref<128x8xf32, #tpu.memory_space<vmem>>) offsets(%dma_start3A_318 : memref<128xi32, #tpu.memory_space<vmem>>) semaphore(%arg10 : memref<!tpu.dma_semaphore, #tpu.memory_space<semaphore_mem>>)
      %dma_start3A_322 = arith.constant 19 : i32
      %dma_start3A_323 = arith.constant 19 : i32
      %dma_start3A_324 = arith.constant 0 : i32
      %dma_start3A_325 = arith.constant 0 : i32
      %dma_start3A_326 = tpu.memref_slice %arg8[%dma_start3A_323, %dma_start3A_324, %dma_start3A_325] : memref<32x128x8xf32, #tpu.memory_space<vmem>> -> memref<1x128x8xf32, #tpu.memory_space<vmem>>
      %dma_start3A_327 = tpu.memref_squeeze %dma_start3A_326 : memref<1x128x8xf32, #tpu.memory_space<vmem>> -> memref<128x8xf32, #tpu.memory_space<vmem>>
      %dma_start3A_328 = arith.constant 0 : i32
      %dma_start3A_329 = tpu.memref_slice %arg6[%dma_start3A_322, %dma_start3A_328] : memref<32x128xi32, #tpu.memory_space<vmem>> -> memref<1x128xi32, #tpu.memory_space<vmem>>
      %dma_start3A_330 = tpu.memref_squeeze %dma_start3A_329 : memref<1x128xi32, #tpu.memory_space<vmem>> -> memref<128xi32, #tpu.memory_space<vmem>>
      %dma_start3A_331 = arith.constant 0 : i32
      %dma_start3A_332 = arith.constant 0 : i32
      %dma_start3A_333 = tpu.memref_slice %arg3[%dma_start3A_331, %dma_start3A_332] : memref<10400000x8xf32, #tpu.memory_space<hbm>> -> memref<10400000x8xf32, #tpu.memory_space<hbm>>
      tpu.enqueue_indirect_dma source(%dma_start3A_333 : memref<10400000x8xf32, #tpu.memory_space<hbm>>) target(%dma_start3A_327 : memref<128x8xf32, #tpu.memory_space<vmem>>) offsets(%dma_start3A_330 : memref<128xi32, #tpu.memory_space<vmem>>) semaphore(%arg10 : memref<!tpu.dma_semaphore, #tpu.memory_space<semaphore_mem>>)
      %dma_start3A_334 = arith.constant 20 : i32
      %dma_start3A_335 = arith.constant 20 : i32
      %dma_start3A_336 = arith.constant 0 : i32
      %dma_start3A_337 = arith.constant 0 : i32
      %dma_start3A_338 = tpu.memref_slice %arg8[%dma_start3A_335, %dma_start3A_336, %dma_start3A_337] : memref<32x128x8xf32, #tpu.memory_space<vmem>> -> memref<1x128x8xf32, #tpu.memory_space<vmem>>
      %dma_start3A_339 = tpu.memref_squeeze %dma_start3A_338 : memref<1x128x8xf32, #tpu.memory_space<vmem>> -> memref<128x8xf32, #tpu.memory_space<vmem>>
      %dma_start3A_340 = arith.constant 0 : i32
      %dma_start3A_341 = tpu.memref_slice %arg6[%dma_start3A_334, %dma_start3A_340] : memref<32x128xi32, #tpu.memory_space<vmem>> -> memref<1x128xi32, #tpu.memory_space<vmem>>
      %dma_start3A_342 = tpu.memref_squeeze %dma_start3A_341 : memref<1x128xi32, #tpu.memory_space<vmem>> -> memref<128xi32, #tpu.memory_space<vmem>>
      %dma_start3A_343 = arith.constant 0 : i32
      %dma_start3A_344 = arith.constant 0 : i32
      %dma_start3A_345 = tpu.memref_slice %arg3[%dma_start3A_343, %dma_start3A_344] : memref<10400000x8xf32, #tpu.memory_space<hbm>> -> memref<10400000x8xf32, #tpu.memory_space<hbm>>
      tpu.enqueue_indirect_dma source(%dma_start3A_345 : memref<10400000x8xf32, #tpu.memory_space<hbm>>) target(%dma_start3A_339 : memref<128x8xf32, #tpu.memory_space<vmem>>) offsets(%dma_start3A_342 : memref<128xi32, #tpu.memory_space<vmem>>) semaphore(%arg10 : memref<!tpu.dma_semaphore, #tpu.memory_space<semaphore_mem>>)
      %dma_start3A_346 = arith.constant 21 : i32
      %dma_start3A_347 = arith.constant 21 : i32
      %dma_start3A_348 = arith.constant 0 : i32
      %dma_start3A_349 = arith.constant 0 : i32
      %dma_start3A_350 = tpu.memref_slice %arg8[%dma_start3A_347, %dma_start3A_348, %dma_start3A_349] : memref<32x128x8xf32, #tpu.memory_space<vmem>> -> memref<1x128x8xf32, #tpu.memory_space<vmem>>
      %dma_start3A_351 = tpu.memref_squeeze %dma_start3A_350 : memref<1x128x8xf32, #tpu.memory_space<vmem>> -> memref<128x8xf32, #tpu.memory_space<vmem>>
      %dma_start3A_352 = arith.constant 0 : i32
      %dma_start3A_353 = tpu.memref_slice %arg6[%dma_start3A_346, %dma_start3A_352] : memref<32x128xi32, #tpu.memory_space<vmem>> -> memref<1x128xi32, #tpu.memory_space<vmem>>
      %dma_start3A_354 = tpu.memref_squeeze %dma_start3A_353 : memref<1x128xi32, #tpu.memory_space<vmem>> -> memref<128xi32, #tpu.memory_space<vmem>>
      %dma_start3A_355 = arith.constant 0 : i32
      %dma_start3A_356 = arith.constant 0 : i32
      %dma_start3A_357 = tpu.memref_slice %arg3[%dma_start3A_355, %dma_start3A_356] : memref<10400000x8xf32, #tpu.memory_space<hbm>> -> memref<10400000x8xf32, #tpu.memory_space<hbm>>
      tpu.enqueue_indirect_dma source(%dma_start3A_357 : memref<10400000x8xf32, #tpu.memory_space<hbm>>) target(%dma_start3A_351 : memref<128x8xf32, #tpu.memory_space<vmem>>) offsets(%dma_start3A_354 : memref<128xi32, #tpu.memory_space<vmem>>) semaphore(%arg10 : memref<!tpu.dma_semaphore, #tpu.memory_space<semaphore_mem>>)
      %dma_start3A_358 = arith.constant 22 : i32
      %dma_start3A_359 = arith.constant 22 : i32
      %dma_start3A_360 = arith.constant 0 : i32
      %dma_start3A_361 = arith.constant 0 : i32
      %dma_start3A_362 = tpu.memref_slice %arg8[%dma_start3A_359, %dma_start3A_360, %dma_start3A_361] : memref<32x128x8xf32, #tpu.memory_space<vmem>> -> memref<1x128x8xf32, #tpu.memory_space<vmem>>
      %dma_start3A_363 = tpu.memref_squeeze %dma_start3A_362 : memref<1x128x8xf32, #tpu.memory_space<vmem>> -> memref<128x8xf32, #tpu.memory_space<vmem>>
      %dma_start3A_364 = arith.constant 0 : i32
      %dma_start3A_365 = tpu.memref_slice %arg6[%dma_start3A_358, %dma_start3A_364] : memref<32x128xi32, #tpu.memory_space<vmem>> -> memref<1x128xi32, #tpu.memory_space<vmem>>
      %dma_start3A_366 = tpu.memref_squeeze %dma_start3A_365 : memref<1x128xi32, #tpu.memory_space<vmem>> -> memref<128xi32, #tpu.memory_space<vmem>>
      %dma_start3A_367 = arith.constant 0 : i32
      %dma_start3A_368 = arith.constant 0 : i32
      %dma_start3A_369 = tpu.memref_slice %arg3[%dma_start3A_367, %dma_start3A_368] : memref<10400000x8xf32, #tpu.memory_space<hbm>> -> memref<10400000x8xf32, #tpu.memory_space<hbm>>
      tpu.enqueue_indirect_dma source(%dma_start3A_369 : memref<10400000x8xf32, #tpu.memory_space<hbm>>) target(%dma_start3A_363 : memref<128x8xf32, #tpu.memory_space<vmem>>) offsets(%dma_start3A_366 : memref<128xi32, #tpu.memory_space<vmem>>) semaphore(%arg10 : memref<!tpu.dma_semaphore, #tpu.memory_space<semaphore_mem>>)
      %dma_start3A_370 = arith.constant 23 : i32
      %dma_start3A_371 = arith.constant 23 : i32
      %dma_start3A_372 = arith.constant 0 : i32
      %dma_start3A_373 = arith.constant 0 : i32
      %dma_start3A_374 = tpu.memref_slice %arg8[%dma_start3A_371, %dma_start3A_372, %dma_start3A_373] : memref<32x128x8xf32, #tpu.memory_space<vmem>> -> memref<1x128x8xf32, #tpu.memory_space<vmem>>
      %dma_start3A_375 = tpu.memref_squeeze %dma_start3A_374 : memref<1x128x8xf32, #tpu.memory_space<vmem>> -> memref<128x8xf32, #tpu.memory_space<vmem>>
      %dma_start3A_376 = arith.constant 0 : i32
      %dma_start3A_377 = tpu.memref_slice %arg6[%dma_start3A_370, %dma_start3A_376] : memref<32x128xi32, #tpu.memory_space<vmem>> -> memref<1x128xi32, #tpu.memory_space<vmem>>
      %dma_start3A_378 = tpu.memref_squeeze %dma_start3A_377 : memref<1x128xi32, #tpu.memory_space<vmem>> -> memref<128xi32, #tpu.memory_space<vmem>>
      %dma_start3A_379 = arith.constant 0 : i32
      %dma_start3A_380 = arith.constant 0 : i32
      %dma_start3A_381 = tpu.memref_slice %arg3[%dma_start3A_379, %dma_start3A_380] : memref<10400000x8xf32, #tpu.memory_space<hbm>> -> memref<10400000x8xf32, #tpu.memory_space<hbm>>
      tpu.enqueue_indirect_dma source(%dma_start3A_381 : memref<10400000x8xf32, #tpu.memory_space<hbm>>) target(%dma_start3A_375 : memref<128x8xf32, #tpu.memory_space<vmem>>) offsets(%dma_start3A_378 : memref<128xi32, #tpu.memory_space<vmem>>) semaphore(%arg10 : memref<!tpu.dma_semaphore, #tpu.memory_space<semaphore_mem>>)
      %dma_start3A_382 = arith.constant 24 : i32
      %dma_start3A_383 = arith.constant 24 : i32
      %dma_start3A_384 = arith.constant 0 : i32
      %dma_start3A_385 = arith.constant 0 : i32
      %dma_start3A_386 = tpu.memref_slice %arg8[%dma_start3A_383, %dma_start3A_384, %dma_start3A_385] : memref<32x128x8xf32, #tpu.memory_space<vmem>> -> memref<1x128x8xf32, #tpu.memory_space<vmem>>
      %dma_start3A_387 = tpu.memref_squeeze %dma_start3A_386 : memref<1x128x8xf32, #tpu.memory_space<vmem>> -> memref<128x8xf32, #tpu.memory_space<vmem>>
      %dma_start3A_388 = arith.constant 0 : i32
      %dma_start3A_389 = tpu.memref_slice %arg6[%dma_start3A_382, %dma_start3A_388] : memref<32x128xi32, #tpu.memory_space<vmem>> -> memref<1x128xi32, #tpu.memory_space<vmem>>
      %dma_start3A_390 = tpu.memref_squeeze %dma_start3A_389 : memref<1x128xi32, #tpu.memory_space<vmem>> -> memref<128xi32, #tpu.memory_space<vmem>>
      %dma_start3A_391 = arith.constant 0 : i32
      %dma_start3A_392 = arith.constant 0 : i32
      %dma_start3A_393 = tpu.memref_slice %arg3[%dma_start3A_391, %dma_start3A_392] : memref<10400000x8xf32, #tpu.memory_space<hbm>> -> memref<10400000x8xf32, #tpu.memory_space<hbm>>
      tpu.enqueue_indirect_dma source(%dma_start3A_393 : memref<10400000x8xf32, #tpu.memory_space<hbm>>) target(%dma_start3A_387 : memref<128x8xf32, #tpu.memory_space<vmem>>) offsets(%dma_start3A_390 : memref<128xi32, #tpu.memory_space<vmem>>) semaphore(%arg10 : memref<!tpu.dma_semaphore, #tpu.memory_space<semaphore_mem>>)
      %dma_start3A_394 = arith.constant 25 : i32
      %dma_start3A_395 = arith.constant 25 : i32
      %dma_start3A_396 = arith.constant 0 : i32
      %dma_start3A_397 = arith.constant 0 : i32
      %dma_start3A_398 = tpu.memref_slice %arg8[%dma_start3A_395, %dma_start3A_396, %dma_start3A_397] : memref<32x128x8xf32, #tpu.memory_space<vmem>> -> memref<1x128x8xf32, #tpu.memory_space<vmem>>
      %dma_start3A_399 = tpu.memref_squeeze %dma_start3A_398 : memref<1x128x8xf32, #tpu.memory_space<vmem>> -> memref<128x8xf32, #tpu.memory_space<vmem>>
      %dma_start3A_400 = arith.constant 0 : i32
      %dma_start3A_401 = tpu.memref_slice %arg6[%dma_start3A_394, %dma_start3A_400] : memref<32x128xi32, #tpu.memory_space<vmem>> -> memref<1x128xi32, #tpu.memory_space<vmem>>
      %dma_start3A_402 = tpu.memref_squeeze %dma_start3A_401 : memref<1x128xi32, #tpu.memory_space<vmem>> -> memref<128xi32, #tpu.memory_space<vmem>>
      %dma_start3A_403 = arith.constant 0 : i32
      %dma_start3A_404 = arith.constant 0 : i32
      %dma_start3A_405 = tpu.memref_slice %arg3[%dma_start3A_403, %dma_start3A_404] : memref<10400000x8xf32, #tpu.memory_space<hbm>> -> memref<10400000x8xf32, #tpu.memory_space<hbm>>
      tpu.enqueue_indirect_dma source(%dma_start3A_405 : memref<10400000x8xf32, #tpu.memory_space<hbm>>) target(%dma_start3A_399 : memref<128x8xf32, #tpu.memory_space<vmem>>) offsets(%dma_start3A_402 : memref<128xi32, #tpu.memory_space<vmem>>) semaphore(%arg10 : memref<!tpu.dma_semaphore, #tpu.memory_space<semaphore_mem>>)
      %dma_start3A_406 = arith.constant 26 : i32
      %dma_start3A_407 = arith.constant 26 : i32
      %dma_start3A_408 = arith.constant 0 : i32
      %dma_start3A_409 = arith.constant 0 : i32
      %dma_start3A_410 = tpu.memref_slice %arg8[%dma_start3A_407, %dma_start3A_408, %dma_start3A_409] : memref<32x128x8xf32, #tpu.memory_space<vmem>> -> memref<1x128x8xf32, #tpu.memory_space<vmem>>
      %dma_start3A_411 = tpu.memref_squeeze %dma_start3A_410 : memref<1x128x8xf32, #tpu.memory_space<vmem>> -> memref<128x8xf32, #tpu.memory_space<vmem>>
      %dma_start3A_412 = arith.constant 0 : i32
      %dma_start3A_413 = tpu.memref_slice %arg6[%dma_start3A_406, %dma_start3A_412] : memref<32x128xi32, #tpu.memory_space<vmem>> -> memref<1x128xi32, #tpu.memory_space<vmem>>
      %dma_start3A_414 = tpu.memref_squeeze %dma_start3A_413 : memref<1x128xi32, #tpu.memory_space<vmem>> -> memref<128xi32, #tpu.memory_space<vmem>>
      %dma_start3A_415 = arith.constant 0 : i32
      %dma_start3A_416 = arith.constant 0 : i32
      %dma_start3A_417 = tpu.memref_slice %arg3[%dma_start3A_415, %dma_start3A_416] : memref<10400000x8xf32, #tpu.memory_space<hbm>> -> memref<10400000x8xf32, #tpu.memory_space<hbm>>
      tpu.enqueue_indirect_dma source(%dma_start3A_417 : memref<10400000x8xf32, #tpu.memory_space<hbm>>) target(%dma_start3A_411 : memref<128x8xf32, #tpu.memory_space<vmem>>) offsets(%dma_start3A_414 : memref<128xi32, #tpu.memory_space<vmem>>) semaphore(%arg10 : memref<!tpu.dma_semaphore, #tpu.memory_space<semaphore_mem>>)
      %dma_start3A_418 = arith.constant 27 : i32
      %dma_start3A_419 = arith.constant 27 : i32
      %dma_start3A_420 = arith.constant 0 : i32
      %dma_start3A_421 = arith.constant 0 : i32
      %dma_start3A_422 = tpu.memref_slice %arg8[%dma_start3A_419, %dma_start3A_420, %dma_start3A_421] : memref<32x128x8xf32, #tpu.memory_space<vmem>> -> memref<1x128x8xf32, #tpu.memory_space<vmem>>
      %dma_start3A_423 = tpu.memref_squeeze %dma_start3A_422 : memref<1x128x8xf32, #tpu.memory_space<vmem>> -> memref<128x8xf32, #tpu.memory_space<vmem>>
      %dma_start3A_424 = arith.constant 0 : i32
      %dma_start3A_425 = tpu.memref_slice %arg6[%dma_start3A_418, %dma_start3A_424] : memref<32x128xi32, #tpu.memory_space<vmem>> -> memref<1x128xi32, #tpu.memory_space<vmem>>
      %dma_start3A_426 = tpu.memref_squeeze %dma_start3A_425 : memref<1x128xi32, #tpu.memory_space<vmem>> -> memref<128xi32, #tpu.memory_space<vmem>>
      %dma_start3A_427 = arith.constant 0 : i32
      %dma_start3A_428 = arith.constant 0 : i32
      %dma_start3A_429 = tpu.memref_slice %arg3[%dma_start3A_427, %dma_start3A_428] : memref<10400000x8xf32, #tpu.memory_space<hbm>> -> memref<10400000x8xf32, #tpu.memory_space<hbm>>
      tpu.enqueue_indirect_dma source(%dma_start3A_429 : memref<10400000x8xf32, #tpu.memory_space<hbm>>) target(%dma_start3A_423 : memref<128x8xf32, #tpu.memory_space<vmem>>) offsets(%dma_start3A_426 : memref<128xi32, #tpu.memory_space<vmem>>) semaphore(%arg10 : memref<!tpu.dma_semaphore, #tpu.memory_space<semaphore_mem>>)
      %dma_start3A_430 = arith.constant 28 : i32
      %dma_start3A_431 = arith.constant 28 : i32
      %dma_start3A_432 = arith.constant 0 : i32
      %dma_start3A_433 = arith.constant 0 : i32
      %dma_start3A_434 = tpu.memref_slice %arg8[%dma_start3A_431, %dma_start3A_432, %dma_start3A_433] : memref<32x128x8xf32, #tpu.memory_space<vmem>> -> memref<1x128x8xf32, #tpu.memory_space<vmem>>
      %dma_start3A_435 = tpu.memref_squeeze %dma_start3A_434 : memref<1x128x8xf32, #tpu.memory_space<vmem>> -> memref<128x8xf32, #tpu.memory_space<vmem>>
      %dma_start3A_436 = arith.constant 0 : i32
      %dma_start3A_437 = tpu.memref_slice %arg6[%dma_start3A_430, %dma_start3A_436] : memref<32x128xi32, #tpu.memory_space<vmem>> -> memref<1x128xi32, #tpu.memory_space<vmem>>
      %dma_start3A_438 = tpu.memref_squeeze %dma_start3A_437 : memref<1x128xi32, #tpu.memory_space<vmem>> -> memref<128xi32, #tpu.memory_space<vmem>>
      %dma_start3A_439 = arith.constant 0 : i32
      %dma_start3A_440 = arith.constant 0 : i32
      %dma_start3A_441 = tpu.memref_slice %arg3[%dma_start3A_439, %dma_start3A_440] : memref<10400000x8xf32, #tpu.memory_space<hbm>> -> memref<10400000x8xf32, #tpu.memory_space<hbm>>
      tpu.enqueue_indirect_dma source(%dma_start3A_441 : memref<10400000x8xf32, #tpu.memory_space<hbm>>) target(%dma_start3A_435 : memref<128x8xf32, #tpu.memory_space<vmem>>) offsets(%dma_start3A_438 : memref<128xi32, #tpu.memory_space<vmem>>) semaphore(%arg10 : memref<!tpu.dma_semaphore, #tpu.memory_space<semaphore_mem>>)
      %dma_start3A_442 = arith.constant 29 : i32
      %dma_start3A_443 = arith.constant 29 : i32
      %dma_start3A_444 = arith.constant 0 : i32
      %dma_start3A_445 = arith.constant 0 : i32
      %dma_start3A_446 = tpu.memref_slice %arg8[%dma_start3A_443, %dma_start3A_444, %dma_start3A_445] : memref<32x128x8xf32, #tpu.memory_space<vmem>> -> memref<1x128x8xf32, #tpu.memory_space<vmem>>
      %dma_start3A_447 = tpu.memref_squeeze %dma_start3A_446 : memref<1x128x8xf32, #tpu.memory_space<vmem>> -> memref<128x8xf32, #tpu.memory_space<vmem>>
      %dma_start3A_448 = arith.constant 0 : i32
      %dma_start3A_449 = tpu.memref_slice %arg6[%dma_start3A_442, %dma_start3A_448] : memref<32x128xi32, #tpu.memory_space<vmem>> -> memref<1x128xi32, #tpu.memory_space<vmem>>
      %dma_start3A_450 = tpu.memref_squeeze %dma_start3A_449 : memref<1x128xi32, #tpu.memory_space<vmem>> -> memref<128xi32, #tpu.memory_space<vmem>>
      %dma_start3A_451 = arith.constant 0 : i32
      %dma_start3A_452 = arith.constant 0 : i32
      %dma_start3A_453 = tpu.memref_slice %arg3[%dma_start3A_451, %dma_start3A_452] : memref<10400000x8xf32, #tpu.memory_space<hbm>> -> memref<10400000x8xf32, #tpu.memory_space<hbm>>
      tpu.enqueue_indirect_dma source(%dma_start3A_453 : memref<10400000x8xf32, #tpu.memory_space<hbm>>) target(%dma_start3A_447 : memref<128x8xf32, #tpu.memory_space<vmem>>) offsets(%dma_start3A_450 : memref<128xi32, #tpu.memory_space<vmem>>) semaphore(%arg10 : memref<!tpu.dma_semaphore, #tpu.memory_space<semaphore_mem>>)
      %dma_start3A_454 = arith.constant 30 : i32
      %dma_start3A_455 = arith.constant 30 : i32
      %dma_start3A_456 = arith.constant 0 : i32
      %dma_start3A_457 = arith.constant 0 : i32
      %dma_start3A_458 = tpu.memref_slice %arg8[%dma_start3A_455, %dma_start3A_456, %dma_start3A_457] : memref<32x128x8xf32, #tpu.memory_space<vmem>> -> memref<1x128x8xf32, #tpu.memory_space<vmem>>
      %dma_start3A_459 = tpu.memref_squeeze %dma_start3A_458 : memref<1x128x8xf32, #tpu.memory_space<vmem>> -> memref<128x8xf32, #tpu.memory_space<vmem>>
      %dma_start3A_460 = arith.constant 0 : i32
      %dma_start3A_461 = tpu.memref_slice %arg6[%dma_start3A_454, %dma_start3A_460] : memref<32x128xi32, #tpu.memory_space<vmem>> -> memref<1x128xi32, #tpu.memory_space<vmem>>
      %dma_start3A_462 = tpu.memref_squeeze %dma_start3A_461 : memref<1x128xi32, #tpu.memory_space<vmem>> -> memref<128xi32, #tpu.memory_space<vmem>>
      %dma_start3A_463 = arith.constant 0 : i32
      %dma_start3A_464 = arith.constant 0 : i32
      %dma_start3A_465 = tpu.memref_slice %arg3[%dma_start3A_463, %dma_start3A_464] : memref<10400000x8xf32, #tpu.memory_space<hbm>> -> memref<10400000x8xf32, #tpu.memory_space<hbm>>
      tpu.enqueue_indirect_dma source(%dma_start3A_465 : memref<10400000x8xf32, #tpu.memory_space<hbm>>) target(%dma_start3A_459 : memref<128x8xf32, #tpu.memory_space<vmem>>) offsets(%dma_start3A_462 : memref<128xi32, #tpu.memory_space<vmem>>) semaphore(%arg10 : memref<!tpu.dma_semaphore, #tpu.memory_space<semaphore_mem>>)
      %dma_start3A_466 = arith.constant 31 : i32
      %dma_start3A_467 = arith.constant 31 : i32
      %dma_start3A_468 = arith.constant 0 : i32
      %dma_start3A_469 = arith.constant 0 : i32
      %dma_start3A_470 = tpu.memref_slice %arg8[%dma_start3A_467, %dma_start3A_468, %dma_start3A_469] : memref<32x128x8xf32, #tpu.memory_space<vmem>> -> memref<1x128x8xf32, #tpu.memory_space<vmem>>
      %dma_start3A_471 = tpu.memref_squeeze %dma_start3A_470 : memref<1x128x8xf32, #tpu.memory_space<vmem>> -> memref<128x8xf32, #tpu.memory_space<vmem>>
      %dma_start3A_472 = arith.constant 0 : i32
      %dma_start3A_473 = tpu.memref_slice %arg6[%dma_start3A_466, %dma_start3A_472] : memref<32x128xi32, #tpu.memory_space<vmem>> -> memref<1x128xi32, #tpu.memory_space<vmem>>
      %dma_start3A_474 = tpu.memref_squeeze %dma_start3A_473 : memref<1x128xi32, #tpu.memory_space<vmem>> -> memref<128xi32, #tpu.memory_space<vmem>>
      %dma_start3A_475 = arith.constant 0 : i32
      %dma_start3A_476 = arith.constant 0 : i32
      %dma_start3A_477 = tpu.memref_slice %arg3[%dma_start3A_475, %dma_start3A_476] : memref<10400000x8xf32, #tpu.memory_space<hbm>> -> memref<10400000x8xf32, #tpu.memory_space<hbm>>
      tpu.enqueue_indirect_dma source(%dma_start3A_477 : memref<10400000x8xf32, #tpu.memory_space<hbm>>) target(%dma_start3A_471 : memref<128x8xf32, #tpu.memory_space<vmem>>) offsets(%dma_start3A_474 : memref<128xi32, #tpu.memory_space<vmem>>) semaphore(%arg10 : memref<!tpu.dma_semaphore, #tpu.memory_space<semaphore_mem>>)
      %dma_wait3A_478 = arith.constant 0 : i32
      %dma_wait3A_479 = arith.constant 0 : i32
      %dma_wait3A_480 = arith.constant 0 : i32
      %dma_wait3A_481 = arith.constant 0 : i32
      %dma_wait3A_482 = tpu.memref_slice %arg8[%dma_wait3A_479, %dma_wait3A_480, %dma_wait3A_481] : memref<32x128x8xf32, #tpu.memory_space<vmem>> -> memref<1x128x8xf32, #tpu.memory_space<vmem>>
      %dma_wait3A_483 = tpu.memref_squeeze %dma_wait3A_482 : memref<1x128x8xf32, #tpu.memory_space<vmem>> -> memref<128x8xf32, #tpu.memory_space<vmem>>
      %dma_wait3A_484 = arith.constant 0 : i32
      %dma_wait3A_485 = tpu.memref_slice %arg6[%dma_wait3A_478, %dma_wait3A_484] : memref<32x128xi32, #tpu.memory_space<vmem>> -> memref<1x128xi32, #tpu.memory_space<vmem>>
      %dma_wait3A_486 = tpu.memref_squeeze %dma_wait3A_485 : memref<1x128xi32, #tpu.memory_space<vmem>> -> memref<128xi32, #tpu.memory_space<vmem>>
      %dma_wait3A_487 = arith.constant 0 : i32
      %dma_wait3A_488 = arith.constant 0 : i32
      %dma_wait3A_489 = tpu.memref_slice %arg3[%dma_wait3A_487, %dma_wait3A_488] : memref<10400000x8xf32, #tpu.memory_space<hbm>> -> memref<10400000x8xf32, #tpu.memory_space<hbm>>
      tpu.wait_indirect_dma semaphore(%arg10 : memref<!tpu.dma_semaphore, #tpu.memory_space<semaphore_mem>>) src(%dma_wait3A_489 : memref<10400000x8xf32, #tpu.memory_space<hbm>>) dst(%dma_wait3A_483 : memref<128x8xf32, #tpu.memory_space<vmem>>)
      %dma_wait3A_490 = arith.constant 1 : i32
      %dma_wait3A_491 = arith.constant 1 : i32
      %dma_wait3A_492 = arith.constant 0 : i32
      %dma_wait3A_493 = arith.constant 0 : i32
      %dma_wait3A_494 = tpu.memref_slice %arg8[%dma_wait3A_491, %dma_wait3A_492, %dma_wait3A_493] : memref<32x128x8xf32, #tpu.memory_space<vmem>> -> memref<1x128x8xf32, #tpu.memory_space<vmem>>
      %dma_wait3A_495 = tpu.memref_squeeze %dma_wait3A_494 : memref<1x128x8xf32, #tpu.memory_space<vmem>> -> memref<128x8xf32, #tpu.memory_space<vmem>>
      %dma_wait3A_496 = arith.constant 0 : i32
      %dma_wait3A_497 = tpu.memref_slice %arg6[%dma_wait3A_490, %dma_wait3A_496] : memref<32x128xi32, #tpu.memory_space<vmem>> -> memref<1x128xi32, #tpu.memory_space<vmem>>
      %dma_wait3A_498 = tpu.memref_squeeze %dma_wait3A_497 : memref<1x128xi32, #tpu.memory_space<vmem>> -> memref<128xi32, #tpu.memory_space<vmem>>
      %dma_wait3A_499 = arith.constant 0 : i32
      %dma_wait3A_500 = arith.constant 0 : i32
      %dma_wait3A_501 = tpu.memref_slice %arg3[%dma_wait3A_499, %dma_wait3A_500] : memref<10400000x8xf32, #tpu.memory_space<hbm>> -> memref<10400000x8xf32, #tpu.memory_space<hbm>>
      tpu.wait_indirect_dma semaphore(%arg10 : memref<!tpu.dma_semaphore, #tpu.memory_space<semaphore_mem>>) src(%dma_wait3A_501 : memref<10400000x8xf32, #tpu.memory_space<hbm>>) dst(%dma_wait3A_495 : memref<128x8xf32, #tpu.memory_space<vmem>>)
      %dma_wait3A_502 = arith.constant 2 : i32
      %dma_wait3A_503 = arith.constant 2 : i32
      %dma_wait3A_504 = arith.constant 0 : i32
      %dma_wait3A_505 = arith.constant 0 : i32
      %dma_wait3A_506 = tpu.memref_slice %arg8[%dma_wait3A_503, %dma_wait3A_504, %dma_wait3A_505] : memref<32x128x8xf32, #tpu.memory_space<vmem>> -> memref<1x128x8xf32, #tpu.memory_space<vmem>>
      %dma_wait3A_507 = tpu.memref_squeeze %dma_wait3A_506 : memref<1x128x8xf32, #tpu.memory_space<vmem>> -> memref<128x8xf32, #tpu.memory_space<vmem>>
      %dma_wait3A_508 = arith.constant 0 : i32
      %dma_wait3A_509 = tpu.memref_slice %arg6[%dma_wait3A_502, %dma_wait3A_508] : memref<32x128xi32, #tpu.memory_space<vmem>> -> memref<1x128xi32, #tpu.memory_space<vmem>>
      %dma_wait3A_510 = tpu.memref_squeeze %dma_wait3A_509 : memref<1x128xi32, #tpu.memory_space<vmem>> -> memref<128xi32, #tpu.memory_space<vmem>>
      %dma_wait3A_511 = arith.constant 0 : i32
      %dma_wait3A_512 = arith.constant 0 : i32
      %dma_wait3A_513 = tpu.memref_slice %arg3[%dma_wait3A_511, %dma_wait3A_512] : memref<10400000x8xf32, #tpu.memory_space<hbm>> -> memref<10400000x8xf32, #tpu.memory_space<hbm>>
      tpu.wait_indirect_dma semaphore(%arg10 : memref<!tpu.dma_semaphore, #tpu.memory_space<semaphore_mem>>) src(%dma_wait3A_513 : memref<10400000x8xf32, #tpu.memory_space<hbm>>) dst(%dma_wait3A_507 : memref<128x8xf32, #tpu.memory_space<vmem>>)
      %dma_wait3A_514 = arith.constant 3 : i32
      %dma_wait3A_515 = arith.constant 3 : i32
      %dma_wait3A_516 = arith.constant 0 : i32
      %dma_wait3A_517 = arith.constant 0 : i32
      %dma_wait3A_518 = tpu.memref_slice %arg8[%dma_wait3A_515, %dma_wait3A_516, %dma_wait3A_517] : memref<32x128x8xf32, #tpu.memory_space<vmem>> -> memref<1x128x8xf32, #tpu.memory_space<vmem>>
      %dma_wait3A_519 = tpu.memref_squeeze %dma_wait3A_518 : memref<1x128x8xf32, #tpu.memory_space<vmem>> -> memref<128x8xf32, #tpu.memory_space<vmem>>
      %dma_wait3A_520 = arith.constant 0 : i32
      %dma_wait3A_521 = tpu.memref_slice %arg6[%dma_wait3A_514, %dma_wait3A_520] : memref<32x128xi32, #tpu.memory_space<vmem>> -> memref<1x128xi32, #tpu.memory_space<vmem>>
      %dma_wait3A_522 = tpu.memref_squeeze %dma_wait3A_521 : memref<1x128xi32, #tpu.memory_space<vmem>> -> memref<128xi32, #tpu.memory_space<vmem>>
      %dma_wait3A_523 = arith.constant 0 : i32
      %dma_wait3A_524 = arith.constant 0 : i32
      %dma_wait3A_525 = tpu.memref_slice %arg3[%dma_wait3A_523, %dma_wait3A_524] : memref<10400000x8xf32, #tpu.memory_space<hbm>> -> memref<10400000x8xf32, #tpu.memory_space<hbm>>
      tpu.wait_indirect_dma semaphore(%arg10 : memref<!tpu.dma_semaphore, #tpu.memory_space<semaphore_mem>>) src(%dma_wait3A_525 : memref<10400000x8xf32, #tpu.memory_space<hbm>>) dst(%dma_wait3A_519 : memref<128x8xf32, #tpu.memory_space<vmem>>)
      %dma_wait3A_526 = arith.constant 4 : i32
      %dma_wait3A_527 = arith.constant 4 : i32
      %dma_wait3A_528 = arith.constant 0 : i32
      %dma_wait3A_529 = arith.constant 0 : i32
      %dma_wait3A_530 = tpu.memref_slice %arg8[%dma_wait3A_527, %dma_wait3A_528, %dma_wait3A_529] : memref<32x128x8xf32, #tpu.memory_space<vmem>> -> memref<1x128x8xf32, #tpu.memory_space<vmem>>
      %dma_wait3A_531 = tpu.memref_squeeze %dma_wait3A_530 : memref<1x128x8xf32, #tpu.memory_space<vmem>> -> memref<128x8xf32, #tpu.memory_space<vmem>>
      %dma_wait3A_532 = arith.constant 0 : i32
      %dma_wait3A_533 = tpu.memref_slice %arg6[%dma_wait3A_526, %dma_wait3A_532] : memref<32x128xi32, #tpu.memory_space<vmem>> -> memref<1x128xi32, #tpu.memory_space<vmem>>
      %dma_wait3A_534 = tpu.memref_squeeze %dma_wait3A_533 : memref<1x128xi32, #tpu.memory_space<vmem>> -> memref<128xi32, #tpu.memory_space<vmem>>
      %dma_wait3A_535 = arith.constant 0 : i32
      %dma_wait3A_536 = arith.constant 0 : i32
      %dma_wait3A_537 = tpu.memref_slice %arg3[%dma_wait3A_535, %dma_wait3A_536] : memref<10400000x8xf32, #tpu.memory_space<hbm>> -> memref<10400000x8xf32, #tpu.memory_space<hbm>>
      tpu.wait_indirect_dma semaphore(%arg10 : memref<!tpu.dma_semaphore, #tpu.memory_space<semaphore_mem>>) src(%dma_wait3A_537 : memref<10400000x8xf32, #tpu.memory_space<hbm>>) dst(%dma_wait3A_531 : memref<128x8xf32, #tpu.memory_space<vmem>>)
      %dma_wait3A_538 = arith.constant 5 : i32
      %dma_wait3A_539 = arith.constant 5 : i32
      %dma_wait3A_540 = arith.constant 0 : i32
      %dma_wait3A_541 = arith.constant 0 : i32
      %dma_wait3A_542 = tpu.memref_slice %arg8[%dma_wait3A_539, %dma_wait3A_540, %dma_wait3A_541] : memref<32x128x8xf32, #tpu.memory_space<vmem>> -> memref<1x128x8xf32, #tpu.memory_space<vmem>>
      %dma_wait3A_543 = tpu.memref_squeeze %dma_wait3A_542 : memref<1x128x8xf32, #tpu.memory_space<vmem>> -> memref<128x8xf32, #tpu.memory_space<vmem>>
      %dma_wait3A_544 = arith.constant 0 : i32
      %dma_wait3A_545 = tpu.memref_slice %arg6[%dma_wait3A_538, %dma_wait3A_544] : memref<32x128xi32, #tpu.memory_space<vmem>> -> memref<1x128xi32, #tpu.memory_space<vmem>>
      %dma_wait3A_546 = tpu.memref_squeeze %dma_wait3A_545 : memref<1x128xi32, #tpu.memory_space<vmem>> -> memref<128xi32, #tpu.memory_space<vmem>>
      %dma_wait3A_547 = arith.constant 0 : i32
      %dma_wait3A_548 = arith.constant 0 : i32
      %dma_wait3A_549 = tpu.memref_slice %arg3[%dma_wait3A_547, %dma_wait3A_548] : memref<10400000x8xf32, #tpu.memory_space<hbm>> -> memref<10400000x8xf32, #tpu.memory_space<hbm>>
      tpu.wait_indirect_dma semaphore(%arg10 : memref<!tpu.dma_semaphore, #tpu.memory_space<semaphore_mem>>) src(%dma_wait3A_549 : memref<10400000x8xf32, #tpu.memory_space<hbm>>) dst(%dma_wait3A_543 : memref<128x8xf32, #tpu.memory_space<vmem>>)
      %dma_wait3A_550 = arith.constant 6 : i32
      %dma_wait3A_551 = arith.constant 6 : i32
      %dma_wait3A_552 = arith.constant 0 : i32
      %dma_wait3A_553 = arith.constant 0 : i32
      %dma_wait3A_554 = tpu.memref_slice %arg8[%dma_wait3A_551, %dma_wait3A_552, %dma_wait3A_553] : memref<32x128x8xf32, #tpu.memory_space<vmem>> -> memref<1x128x8xf32, #tpu.memory_space<vmem>>
      %dma_wait3A_555 = tpu.memref_squeeze %dma_wait3A_554 : memref<1x128x8xf32, #tpu.memory_space<vmem>> -> memref<128x8xf32, #tpu.memory_space<vmem>>
      %dma_wait3A_556 = arith.constant 0 : i32
      %dma_wait3A_557 = tpu.memref_slice %arg6[%dma_wait3A_550, %dma_wait3A_556] : memref<32x128xi32, #tpu.memory_space<vmem>> -> memref<1x128xi32, #tpu.memory_space<vmem>>
      %dma_wait3A_558 = tpu.memref_squeeze %dma_wait3A_557 : memref<1x128xi32, #tpu.memory_space<vmem>> -> memref<128xi32, #tpu.memory_space<vmem>>
      %dma_wait3A_559 = arith.constant 0 : i32
      %dma_wait3A_560 = arith.constant 0 : i32
      %dma_wait3A_561 = tpu.memref_slice %arg3[%dma_wait3A_559, %dma_wait3A_560] : memref<10400000x8xf32, #tpu.memory_space<hbm>> -> memref<10400000x8xf32, #tpu.memory_space<hbm>>
      tpu.wait_indirect_dma semaphore(%arg10 : memref<!tpu.dma_semaphore, #tpu.memory_space<semaphore_mem>>) src(%dma_wait3A_561 : memref<10400000x8xf32, #tpu.memory_space<hbm>>) dst(%dma_wait3A_555 : memref<128x8xf32, #tpu.memory_space<vmem>>)
      %dma_wait3A_562 = arith.constant 7 : i32
      %dma_wait3A_563 = arith.constant 7 : i32
      %dma_wait3A_564 = arith.constant 0 : i32
      %dma_wait3A_565 = arith.constant 0 : i32
      %dma_wait3A_566 = tpu.memref_slice %arg8[%dma_wait3A_563, %dma_wait3A_564, %dma_wait3A_565] : memref<32x128x8xf32, #tpu.memory_space<vmem>> -> memref<1x128x8xf32, #tpu.memory_space<vmem>>
      %dma_wait3A_567 = tpu.memref_squeeze %dma_wait3A_566 : memref<1x128x8xf32, #tpu.memory_space<vmem>> -> memref<128x8xf32, #tpu.memory_space<vmem>>
      %dma_wait3A_568 = arith.constant 0 : i32
      %dma_wait3A_569 = tpu.memref_slice %arg6[%dma_wait3A_562, %dma_wait3A_568] : memref<32x128xi32, #tpu.memory_space<vmem>> -> memref<1x128xi32, #tpu.memory_space<vmem>>
      %dma_wait3A_570 = tpu.memref_squeeze %dma_wait3A_569 : memref<1x128xi32, #tpu.memory_space<vmem>> -> memref<128xi32, #tpu.memory_space<vmem>>
      %dma_wait3A_571 = arith.constant 0 : i32
      %dma_wait3A_572 = arith.constant 0 : i32
      %dma_wait3A_573 = tpu.memref_slice %arg3[%dma_wait3A_571, %dma_wait3A_572] : memref<10400000x8xf32, #tpu.memory_space<hbm>> -> memref<10400000x8xf32, #tpu.memory_space<hbm>>
      tpu.wait_indirect_dma semaphore(%arg10 : memref<!tpu.dma_semaphore, #tpu.memory_space<semaphore_mem>>) src(%dma_wait3A_573 : memref<10400000x8xf32, #tpu.memory_space<hbm>>) dst(%dma_wait3A_567 : memref<128x8xf32, #tpu.memory_space<vmem>>)
      %dma_wait3A_574 = arith.constant 8 : i32
      %dma_wait3A_575 = arith.constant 8 : i32
      %dma_wait3A_576 = arith.constant 0 : i32
      %dma_wait3A_577 = arith.constant 0 : i32
      %dma_wait3A_578 = tpu.memref_slice %arg8[%dma_wait3A_575, %dma_wait3A_576, %dma_wait3A_577] : memref<32x128x8xf32, #tpu.memory_space<vmem>> -> memref<1x128x8xf32, #tpu.memory_space<vmem>>
      %dma_wait3A_579 = tpu.memref_squeeze %dma_wait3A_578 : memref<1x128x8xf32, #tpu.memory_space<vmem>> -> memref<128x8xf32, #tpu.memory_space<vmem>>
      %dma_wait3A_580 = arith.constant 0 : i32
      %dma_wait3A_581 = tpu.memref_slice %arg6[%dma_wait3A_574, %dma_wait3A_580] : memref<32x128xi32, #tpu.memory_space<vmem>> -> memref<1x128xi32, #tpu.memory_space<vmem>>
      %dma_wait3A_582 = tpu.memref_squeeze %dma_wait3A_581 : memref<1x128xi32, #tpu.memory_space<vmem>> -> memref<128xi32, #tpu.memory_space<vmem>>
      %dma_wait3A_583 = arith.constant 0 : i32
      %dma_wait3A_584 = arith.constant 0 : i32
      %dma_wait3A_585 = tpu.memref_slice %arg3[%dma_wait3A_583, %dma_wait3A_584] : memref<10400000x8xf32, #tpu.memory_space<hbm>> -> memref<10400000x8xf32, #tpu.memory_space<hbm>>
      tpu.wait_indirect_dma semaphore(%arg10 : memref<!tpu.dma_semaphore, #tpu.memory_space<semaphore_mem>>) src(%dma_wait3A_585 : memref<10400000x8xf32, #tpu.memory_space<hbm>>) dst(%dma_wait3A_579 : memref<128x8xf32, #tpu.memory_space<vmem>>)
      %dma_wait3A_586 = arith.constant 9 : i32
      %dma_wait3A_587 = arith.constant 9 : i32
      %dma_wait3A_588 = arith.constant 0 : i32
      %dma_wait3A_589 = arith.constant 0 : i32
      %dma_wait3A_590 = tpu.memref_slice %arg8[%dma_wait3A_587, %dma_wait3A_588, %dma_wait3A_589] : memref<32x128x8xf32, #tpu.memory_space<vmem>> -> memref<1x128x8xf32, #tpu.memory_space<vmem>>
      %dma_wait3A_591 = tpu.memref_squeeze %dma_wait3A_590 : memref<1x128x8xf32, #tpu.memory_space<vmem>> -> memref<128x8xf32, #tpu.memory_space<vmem>>
      %dma_wait3A_592 = arith.constant 0 : i32
      %dma_wait3A_593 = tpu.memref_slice %arg6[%dma_wait3A_586, %dma_wait3A_592] : memref<32x128xi32, #tpu.memory_space<vmem>> -> memref<1x128xi32, #tpu.memory_space<vmem>>
      %dma_wait3A_594 = tpu.memref_squeeze %dma_wait3A_593 : memref<1x128xi32, #tpu.memory_space<vmem>> -> memref<128xi32, #tpu.memory_space<vmem>>
      %dma_wait3A_595 = arith.constant 0 : i32
      %dma_wait3A_596 = arith.constant 0 : i32
      %dma_wait3A_597 = tpu.memref_slice %arg3[%dma_wait3A_595, %dma_wait3A_596] : memref<10400000x8xf32, #tpu.memory_space<hbm>> -> memref<10400000x8xf32, #tpu.memory_space<hbm>>
      tpu.wait_indirect_dma semaphore(%arg10 : memref<!tpu.dma_semaphore, #tpu.memory_space<semaphore_mem>>) src(%dma_wait3A_597 : memref<10400000x8xf32, #tpu.memory_space<hbm>>) dst(%dma_wait3A_591 : memref<128x8xf32, #tpu.memory_space<vmem>>)
      %dma_wait3A_598 = arith.constant 10 : i32
      %dma_wait3A_599 = arith.constant 10 : i32
      %dma_wait3A_600 = arith.constant 0 : i32
      %dma_wait3A_601 = arith.constant 0 : i32
      %dma_wait3A_602 = tpu.memref_slice %arg8[%dma_wait3A_599, %dma_wait3A_600, %dma_wait3A_601] : memref<32x128x8xf32, #tpu.memory_space<vmem>> -> memref<1x128x8xf32, #tpu.memory_space<vmem>>
      %dma_wait3A_603 = tpu.memref_squeeze %dma_wait3A_602 : memref<1x128x8xf32, #tpu.memory_space<vmem>> -> memref<128x8xf32, #tpu.memory_space<vmem>>
      %dma_wait3A_604 = arith.constant 0 : i32
      %dma_wait3A_605 = tpu.memref_slice %arg6[%dma_wait3A_598, %dma_wait3A_604] : memref<32x128xi32, #tpu.memory_space<vmem>> -> memref<1x128xi32, #tpu.memory_space<vmem>>
      %dma_wait3A_606 = tpu.memref_squeeze %dma_wait3A_605 : memref<1x128xi32, #tpu.memory_space<vmem>> -> memref<128xi32, #tpu.memory_space<vmem>>
      %dma_wait3A_607 = arith.constant 0 : i32
      %dma_wait3A_608 = arith.constant 0 : i32
      %dma_wait3A_609 = tpu.memref_slice %arg3[%dma_wait3A_607, %dma_wait3A_608] : memref<10400000x8xf32, #tpu.memory_space<hbm>> -> memref<10400000x8xf32, #tpu.memory_space<hbm>>
      tpu.wait_indirect_dma semaphore(%arg10 : memref<!tpu.dma_semaphore, #tpu.memory_space<semaphore_mem>>) src(%dma_wait3A_609 : memref<10400000x8xf32, #tpu.memory_space<hbm>>) dst(%dma_wait3A_603 : memref<128x8xf32, #tpu.memory_space<vmem>>)
      %dma_wait3A_610 = arith.constant 11 : i32
      %dma_wait3A_611 = arith.constant 11 : i32
      %dma_wait3A_612 = arith.constant 0 : i32
      %dma_wait3A_613 = arith.constant 0 : i32
      %dma_wait3A_614 = tpu.memref_slice %arg8[%dma_wait3A_611, %dma_wait3A_612, %dma_wait3A_613] : memref<32x128x8xf32, #tpu.memory_space<vmem>> -> memref<1x128x8xf32, #tpu.memory_space<vmem>>
      %dma_wait3A_615 = tpu.memref_squeeze %dma_wait3A_614 : memref<1x128x8xf32, #tpu.memory_space<vmem>> -> memref<128x8xf32, #tpu.memory_space<vmem>>
      %dma_wait3A_616 = arith.constant 0 : i32
      %dma_wait3A_617 = tpu.memref_slice %arg6[%dma_wait3A_610, %dma_wait3A_616] : memref<32x128xi32, #tpu.memory_space<vmem>> -> memref<1x128xi32, #tpu.memory_space<vmem>>
      %dma_wait3A_618 = tpu.memref_squeeze %dma_wait3A_617 : memref<1x128xi32, #tpu.memory_space<vmem>> -> memref<128xi32, #tpu.memory_space<vmem>>
      %dma_wait3A_619 = arith.constant 0 : i32
      %dma_wait3A_620 = arith.constant 0 : i32
      %dma_wait3A_621 = tpu.memref_slice %arg3[%dma_wait3A_619, %dma_wait3A_620] : memref<10400000x8xf32, #tpu.memory_space<hbm>> -> memref<10400000x8xf32, #tpu.memory_space<hbm>>
      tpu.wait_indirect_dma semaphore(%arg10 : memref<!tpu.dma_semaphore, #tpu.memory_space<semaphore_mem>>) src(%dma_wait3A_621 : memref<10400000x8xf32, #tpu.memory_space<hbm>>) dst(%dma_wait3A_615 : memref<128x8xf32, #tpu.memory_space<vmem>>)
      %dma_wait3A_622 = arith.constant 12 : i32
      %dma_wait3A_623 = arith.constant 12 : i32
      %dma_wait3A_624 = arith.constant 0 : i32
      %dma_wait3A_625 = arith.constant 0 : i32
      %dma_wait3A_626 = tpu.memref_slice %arg8[%dma_wait3A_623, %dma_wait3A_624, %dma_wait3A_625] : memref<32x128x8xf32, #tpu.memory_space<vmem>> -> memref<1x128x8xf32, #tpu.memory_space<vmem>>
      %dma_wait3A_627 = tpu.memref_squeeze %dma_wait3A_626 : memref<1x128x8xf32, #tpu.memory_space<vmem>> -> memref<128x8xf32, #tpu.memory_space<vmem>>
      %dma_wait3A_628 = arith.constant 0 : i32
      %dma_wait3A_629 = tpu.memref_slice %arg6[%dma_wait3A_622, %dma_wait3A_628] : memref<32x128xi32, #tpu.memory_space<vmem>> -> memref<1x128xi32, #tpu.memory_space<vmem>>
      %dma_wait3A_630 = tpu.memref_squeeze %dma_wait3A_629 : memref<1x128xi32, #tpu.memory_space<vmem>> -> memref<128xi32, #tpu.memory_space<vmem>>
      %dma_wait3A_631 = arith.constant 0 : i32
      %dma_wait3A_632 = arith.constant 0 : i32
      %dma_wait3A_633 = tpu.memref_slice %arg3[%dma_wait3A_631, %dma_wait3A_632] : memref<10400000x8xf32, #tpu.memory_space<hbm>> -> memref<10400000x8xf32, #tpu.memory_space<hbm>>
      tpu.wait_indirect_dma semaphore(%arg10 : memref<!tpu.dma_semaphore, #tpu.memory_space<semaphore_mem>>) src(%dma_wait3A_633 : memref<10400000x8xf32, #tpu.memory_space<hbm>>) dst(%dma_wait3A_627 : memref<128x8xf32, #tpu.memory_space<vmem>>)
      %dma_wait3A_634 = arith.constant 13 : i32
      %dma_wait3A_635 = arith.constant 13 : i32
      %dma_wait3A_636 = arith.constant 0 : i32
      %dma_wait3A_637 = arith.constant 0 : i32
      %dma_wait3A_638 = tpu.memref_slice %arg8[%dma_wait3A_635, %dma_wait3A_636, %dma_wait3A_637] : memref<32x128x8xf32, #tpu.memory_space<vmem>> -> memref<1x128x8xf32, #tpu.memory_space<vmem>>
      %dma_wait3A_639 = tpu.memref_squeeze %dma_wait3A_638 : memref<1x128x8xf32, #tpu.memory_space<vmem>> -> memref<128x8xf32, #tpu.memory_space<vmem>>
      %dma_wait3A_640 = arith.constant 0 : i32
      %dma_wait3A_641 = tpu.memref_slice %arg6[%dma_wait3A_634, %dma_wait3A_640] : memref<32x128xi32, #tpu.memory_space<vmem>> -> memref<1x128xi32, #tpu.memory_space<vmem>>
      %dma_wait3A_642 = tpu.memref_squeeze %dma_wait3A_641 : memref<1x128xi32, #tpu.memory_space<vmem>> -> memref<128xi32, #tpu.memory_space<vmem>>
      %dma_wait3A_643 = arith.constant 0 : i32
      %dma_wait3A_644 = arith.constant 0 : i32
      %dma_wait3A_645 = tpu.memref_slice %arg3[%dma_wait3A_643, %dma_wait3A_644] : memref<10400000x8xf32, #tpu.memory_space<hbm>> -> memref<10400000x8xf32, #tpu.memory_space<hbm>>
      tpu.wait_indirect_dma semaphore(%arg10 : memref<!tpu.dma_semaphore, #tpu.memory_space<semaphore_mem>>) src(%dma_wait3A_645 : memref<10400000x8xf32, #tpu.memory_space<hbm>>) dst(%dma_wait3A_639 : memref<128x8xf32, #tpu.memory_space<vmem>>)
      %dma_wait3A_646 = arith.constant 14 : i32
      %dma_wait3A_647 = arith.constant 14 : i32
      %dma_wait3A_648 = arith.constant 0 : i32
      %dma_wait3A_649 = arith.constant 0 : i32
      %dma_wait3A_650 = tpu.memref_slice %arg8[%dma_wait3A_647, %dma_wait3A_648, %dma_wait3A_649] : memref<32x128x8xf32, #tpu.memory_space<vmem>> -> memref<1x128x8xf32, #tpu.memory_space<vmem>>
      %dma_wait3A_651 = tpu.memref_squeeze %dma_wait3A_650 : memref<1x128x8xf32, #tpu.memory_space<vmem>> -> memref<128x8xf32, #tpu.memory_space<vmem>>
      %dma_wait3A_652 = arith.constant 0 : i32
      %dma_wait3A_653 = tpu.memref_slice %arg6[%dma_wait3A_646, %dma_wait3A_652] : memref<32x128xi32, #tpu.memory_space<vmem>> -> memref<1x128xi32, #tpu.memory_space<vmem>>
      %dma_wait3A_654 = tpu.memref_squeeze %dma_wait3A_653 : memref<1x128xi32, #tpu.memory_space<vmem>> -> memref<128xi32, #tpu.memory_space<vmem>>
      %dma_wait3A_655 = arith.constant 0 : i32
      %dma_wait3A_656 = arith.constant 0 : i32
      %dma_wait3A_657 = tpu.memref_slice %arg3[%dma_wait3A_655, %dma_wait3A_656] : memref<10400000x8xf32, #tpu.memory_space<hbm>> -> memref<10400000x8xf32, #tpu.memory_space<hbm>>
      tpu.wait_indirect_dma semaphore(%arg10 : memref<!tpu.dma_semaphore, #tpu.memory_space<semaphore_mem>>) src(%dma_wait3A_657 : memref<10400000x8xf32, #tpu.memory_space<hbm>>) dst(%dma_wait3A_651 : memref<128x8xf32, #tpu.memory_space<vmem>>)
      %dma_wait3A_658 = arith.constant 15 : i32
      %dma_wait3A_659 = arith.constant 15 : i32
      %dma_wait3A_660 = arith.constant 0 : i32
      %dma_wait3A_661 = arith.constant 0 : i32
      %dma_wait3A_662 = tpu.memref_slice %arg8[%dma_wait3A_659, %dma_wait3A_660, %dma_wait3A_661] : memref<32x128x8xf32, #tpu.memory_space<vmem>> -> memref<1x128x8xf32, #tpu.memory_space<vmem>>
      %dma_wait3A_663 = tpu.memref_squeeze %dma_wait3A_662 : memref<1x128x8xf32, #tpu.memory_space<vmem>> -> memref<128x8xf32, #tpu.memory_space<vmem>>
      %dma_wait3A_664 = arith.constant 0 : i32
      %dma_wait3A_665 = tpu.memref_slice %arg6[%dma_wait3A_658, %dma_wait3A_664] : memref<32x128xi32, #tpu.memory_space<vmem>> -> memref<1x128xi32, #tpu.memory_space<vmem>>
      %dma_wait3A_666 = tpu.memref_squeeze %dma_wait3A_665 : memref<1x128xi32, #tpu.memory_space<vmem>> -> memref<128xi32, #tpu.memory_space<vmem>>
      %dma_wait3A_667 = arith.constant 0 : i32
      %dma_wait3A_668 = arith.constant 0 : i32
      %dma_wait3A_669 = tpu.memref_slice %arg3[%dma_wait3A_667, %dma_wait3A_668] : memref<10400000x8xf32, #tpu.memory_space<hbm>> -> memref<10400000x8xf32, #tpu.memory_space<hbm>>
      tpu.wait_indirect_dma semaphore(%arg10 : memref<!tpu.dma_semaphore, #tpu.memory_space<semaphore_mem>>) src(%dma_wait3A_669 : memref<10400000x8xf32, #tpu.memory_space<hbm>>) dst(%dma_wait3A_663 : memref<128x8xf32, #tpu.memory_space<vmem>>)
      %dma_wait3A_670 = arith.constant 16 : i32
      %dma_wait3A_671 = arith.constant 16 : i32
      %dma_wait3A_672 = arith.constant 0 : i32
      %dma_wait3A_673 = arith.constant 0 : i32
      %dma_wait3A_674 = tpu.memref_slice %arg8[%dma_wait3A_671, %dma_wait3A_672, %dma_wait3A_673] : memref<32x128x8xf32, #tpu.memory_space<vmem>> -> memref<1x128x8xf32, #tpu.memory_space<vmem>>
      %dma_wait3A_675 = tpu.memref_squeeze %dma_wait3A_674 : memref<1x128x8xf32, #tpu.memory_space<vmem>> -> memref<128x8xf32, #tpu.memory_space<vmem>>
      %dma_wait3A_676 = arith.constant 0 : i32
      %dma_wait3A_677 = tpu.memref_slice %arg6[%dma_wait3A_670, %dma_wait3A_676] : memref<32x128xi32, #tpu.memory_space<vmem>> -> memref<1x128xi32, #tpu.memory_space<vmem>>
      %dma_wait3A_678 = tpu.memref_squeeze %dma_wait3A_677 : memref<1x128xi32, #tpu.memory_space<vmem>> -> memref<128xi32, #tpu.memory_space<vmem>>
      %dma_wait3A_679 = arith.constant 0 : i32
      %dma_wait3A_680 = arith.constant 0 : i32
      %dma_wait3A_681 = tpu.memref_slice %arg3[%dma_wait3A_679, %dma_wait3A_680] : memref<10400000x8xf32, #tpu.memory_space<hbm>> -> memref<10400000x8xf32, #tpu.memory_space<hbm>>
      tpu.wait_indirect_dma semaphore(%arg10 : memref<!tpu.dma_semaphore, #tpu.memory_space<semaphore_mem>>) src(%dma_wait3A_681 : memref<10400000x8xf32, #tpu.memory_space<hbm>>) dst(%dma_wait3A_675 : memref<128x8xf32, #tpu.memory_space<vmem>>)
      %dma_wait3A_682 = arith.constant 17 : i32
      %dma_wait3A_683 = arith.constant 17 : i32
      %dma_wait3A_684 = arith.constant 0 : i32
      %dma_wait3A_685 = arith.constant 0 : i32
      %dma_wait3A_686 = tpu.memref_slice %arg8[%dma_wait3A_683, %dma_wait3A_684, %dma_wait3A_685] : memref<32x128x8xf32, #tpu.memory_space<vmem>> -> memref<1x128x8xf32, #tpu.memory_space<vmem>>
      %dma_wait3A_687 = tpu.memref_squeeze %dma_wait3A_686 : memref<1x128x8xf32, #tpu.memory_space<vmem>> -> memref<128x8xf32, #tpu.memory_space<vmem>>
      %dma_wait3A_688 = arith.constant 0 : i32
      %dma_wait3A_689 = tpu.memref_slice %arg6[%dma_wait3A_682, %dma_wait3A_688] : memref<32x128xi32, #tpu.memory_space<vmem>> -> memref<1x128xi32, #tpu.memory_space<vmem>>
      %dma_wait3A_690 = tpu.memref_squeeze %dma_wait3A_689 : memref<1x128xi32, #tpu.memory_space<vmem>> -> memref<128xi32, #tpu.memory_space<vmem>>
      %dma_wait3A_691 = arith.constant 0 : i32
      %dma_wait3A_692 = arith.constant 0 : i32
      %dma_wait3A_693 = tpu.memref_slice %arg3[%dma_wait3A_691, %dma_wait3A_692] : memref<10400000x8xf32, #tpu.memory_space<hbm>> -> memref<10400000x8xf32, #tpu.memory_space<hbm>>
      tpu.wait_indirect_dma semaphore(%arg10 : memref<!tpu.dma_semaphore, #tpu.memory_space<semaphore_mem>>) src(%dma_wait3A_693 : memref<10400000x8xf32, #tpu.memory_space<hbm>>) dst(%dma_wait3A_687 : memref<128x8xf32, #tpu.memory_space<vmem>>)
      %dma_wait3A_694 = arith.constant 18 : i32
      %dma_wait3A_695 = arith.constant 18 : i32
      %dma_wait3A_696 = arith.constant 0 : i32
      %dma_wait3A_697 = arith.constant 0 : i32
      %dma_wait3A_698 = tpu.memref_slice %arg8[%dma_wait3A_695, %dma_wait3A_696, %dma_wait3A_697] : memref<32x128x8xf32, #tpu.memory_space<vmem>> -> memref<1x128x8xf32, #tpu.memory_space<vmem>>
      %dma_wait3A_699 = tpu.memref_squeeze %dma_wait3A_698 : memref<1x128x8xf32, #tpu.memory_space<vmem>> -> memref<128x8xf32, #tpu.memory_space<vmem>>
      %dma_wait3A_700 = arith.constant 0 : i32
      %dma_wait3A_701 = tpu.memref_slice %arg6[%dma_wait3A_694, %dma_wait3A_700] : memref<32x128xi32, #tpu.memory_space<vmem>> -> memref<1x128xi32, #tpu.memory_space<vmem>>
      %dma_wait3A_702 = tpu.memref_squeeze %dma_wait3A_701 : memref<1x128xi32, #tpu.memory_space<vmem>> -> memref<128xi32, #tpu.memory_space<vmem>>
      %dma_wait3A_703 = arith.constant 0 : i32
      %dma_wait3A_704 = arith.constant 0 : i32
      %dma_wait3A_705 = tpu.memref_slice %arg3[%dma_wait3A_703, %dma_wait3A_704] : memref<10400000x8xf32, #tpu.memory_space<hbm>> -> memref<10400000x8xf32, #tpu.memory_space<hbm>>
      tpu.wait_indirect_dma semaphore(%arg10 : memref<!tpu.dma_semaphore, #tpu.memory_space<semaphore_mem>>) src(%dma_wait3A_705 : memref<10400000x8xf32, #tpu.memory_space<hbm>>) dst(%dma_wait3A_699 : memref<128x8xf32, #tpu.memory_space<vmem>>)
      %dma_wait3A_706 = arith.constant 19 : i32
      %dma_wait3A_707 = arith.constant 19 : i32
      %dma_wait3A_708 = arith.constant 0 : i32
      %dma_wait3A_709 = arith.constant 0 : i32
      %dma_wait3A_710 = tpu.memref_slice %arg8[%dma_wait3A_707, %dma_wait3A_708, %dma_wait3A_709] : memref<32x128x8xf32, #tpu.memory_space<vmem>> -> memref<1x128x8xf32, #tpu.memory_space<vmem>>
      %dma_wait3A_711 = tpu.memref_squeeze %dma_wait3A_710 : memref<1x128x8xf32, #tpu.memory_space<vmem>> -> memref<128x8xf32, #tpu.memory_space<vmem>>
      %dma_wait3A_712 = arith.constant 0 : i32
      %dma_wait3A_713 = tpu.memref_slice %arg6[%dma_wait3A_706, %dma_wait3A_712] : memref<32x128xi32, #tpu.memory_space<vmem>> -> memref<1x128xi32, #tpu.memory_space<vmem>>
      %dma_wait3A_714 = tpu.memref_squeeze %dma_wait3A_713 : memref<1x128xi32, #tpu.memory_space<vmem>> -> memref<128xi32, #tpu.memory_space<vmem>>
      %dma_wait3A_715 = arith.constant 0 : i32
      %dma_wait3A_716 = arith.constant 0 : i32
      %dma_wait3A_717 = tpu.memref_slice %arg3[%dma_wait3A_715, %dma_wait3A_716] : memref<10400000x8xf32, #tpu.memory_space<hbm>> -> memref<10400000x8xf32, #tpu.memory_space<hbm>>
      tpu.wait_indirect_dma semaphore(%arg10 : memref<!tpu.dma_semaphore, #tpu.memory_space<semaphore_mem>>) src(%dma_wait3A_717 : memref<10400000x8xf32, #tpu.memory_space<hbm>>) dst(%dma_wait3A_711 : memref<128x8xf32, #tpu.memory_space<vmem>>)
      %dma_wait3A_718 = arith.constant 20 : i32
      %dma_wait3A_719 = arith.constant 20 : i32
      %dma_wait3A_720 = arith.constant 0 : i32
      %dma_wait3A_721 = arith.constant 0 : i32
      %dma_wait3A_722 = tpu.memref_slice %arg8[%dma_wait3A_719, %dma_wait3A_720, %dma_wait3A_721] : memref<32x128x8xf32, #tpu.memory_space<vmem>> -> memref<1x128x8xf32, #tpu.memory_space<vmem>>
      %dma_wait3A_723 = tpu.memref_squeeze %dma_wait3A_722 : memref<1x128x8xf32, #tpu.memory_space<vmem>> -> memref<128x8xf32, #tpu.memory_space<vmem>>
      %dma_wait3A_724 = arith.constant 0 : i32
      %dma_wait3A_725 = tpu.memref_slice %arg6[%dma_wait3A_718, %dma_wait3A_724] : memref<32x128xi32, #tpu.memory_space<vmem>> -> memref<1x128xi32, #tpu.memory_space<vmem>>
      %dma_wait3A_726 = tpu.memref_squeeze %dma_wait3A_725 : memref<1x128xi32, #tpu.memory_space<vmem>> -> memref<128xi32, #tpu.memory_space<vmem>>
      %dma_wait3A_727 = arith.constant 0 : i32
      %dma_wait3A_728 = arith.constant 0 : i32
      %dma_wait3A_729 = tpu.memref_slice %arg3[%dma_wait3A_727, %dma_wait3A_728] : memref<10400000x8xf32, #tpu.memory_space<hbm>> -> memref<10400000x8xf32, #tpu.memory_space<hbm>>
      tpu.wait_indirect_dma semaphore(%arg10 : memref<!tpu.dma_semaphore, #tpu.memory_space<semaphore_mem>>) src(%dma_wait3A_729 : memref<10400000x8xf32, #tpu.memory_space<hbm>>) dst(%dma_wait3A_723 : memref<128x8xf32, #tpu.memory_space<vmem>>)
      %dma_wait3A_730 = arith.constant 21 : i32
      %dma_wait3A_731 = arith.constant 21 : i32
      %dma_wait3A_732 = arith.constant 0 : i32
      %dma_wait3A_733 = arith.constant 0 : i32
      %dma_wait3A_734 = tpu.memref_slice %arg8[%dma_wait3A_731, %dma_wait3A_732, %dma_wait3A_733] : memref<32x128x8xf32, #tpu.memory_space<vmem>> -> memref<1x128x8xf32, #tpu.memory_space<vmem>>
      %dma_wait3A_735 = tpu.memref_squeeze %dma_wait3A_734 : memref<1x128x8xf32, #tpu.memory_space<vmem>> -> memref<128x8xf32, #tpu.memory_space<vmem>>
      %dma_wait3A_736 = arith.constant 0 : i32
      %dma_wait3A_737 = tpu.memref_slice %arg6[%dma_wait3A_730, %dma_wait3A_736] : memref<32x128xi32, #tpu.memory_space<vmem>> -> memref<1x128xi32, #tpu.memory_space<vmem>>
      %dma_wait3A_738 = tpu.memref_squeeze %dma_wait3A_737 : memref<1x128xi32, #tpu.memory_space<vmem>> -> memref<128xi32, #tpu.memory_space<vmem>>
      %dma_wait3A_739 = arith.constant 0 : i32
      %dma_wait3A_740 = arith.constant 0 : i32
      %dma_wait3A_741 = tpu.memref_slice %arg3[%dma_wait3A_739, %dma_wait3A_740] : memref<10400000x8xf32, #tpu.memory_space<hbm>> -> memref<10400000x8xf32, #tpu.memory_space<hbm>>
      tpu.wait_indirect_dma semaphore(%arg10 : memref<!tpu.dma_semaphore, #tpu.memory_space<semaphore_mem>>) src(%dma_wait3A_741 : memref<10400000x8xf32, #tpu.memory_space<hbm>>) dst(%dma_wait3A_735 : memref<128x8xf32, #tpu.memory_space<vmem>>)
      %dma_wait3A_742 = arith.constant 22 : i32
      %dma_wait3A_743 = arith.constant 22 : i32
      %dma_wait3A_744 = arith.constant 0 : i32
      %dma_wait3A_745 = arith.constant 0 : i32
      %dma_wait3A_746 = tpu.memref_slice %arg8[%dma_wait3A_743, %dma_wait3A_744, %dma_wait3A_745] : memref<32x128x8xf32, #tpu.memory_space<vmem>> -> memref<1x128x8xf32, #tpu.memory_space<vmem>>
      %dma_wait3A_747 = tpu.memref_squeeze %dma_wait3A_746 : memref<1x128x8xf32, #tpu.memory_space<vmem>> -> memref<128x8xf32, #tpu.memory_space<vmem>>
      %dma_wait3A_748 = arith.constant 0 : i32
      %dma_wait3A_749 = tpu.memref_slice %arg6[%dma_wait3A_742, %dma_wait3A_748] : memref<32x128xi32, #tpu.memory_space<vmem>> -> memref<1x128xi32, #tpu.memory_space<vmem>>
      %dma_wait3A_750 = tpu.memref_squeeze %dma_wait3A_749 : memref<1x128xi32, #tpu.memory_space<vmem>> -> memref<128xi32, #tpu.memory_space<vmem>>
      %dma_wait3A_751 = arith.constant 0 : i32
      %dma_wait3A_752 = arith.constant 0 : i32
      %dma_wait3A_753 = tpu.memref_slice %arg3[%dma_wait3A_751, %dma_wait3A_752] : memref<10400000x8xf32, #tpu.memory_space<hbm>> -> memref<10400000x8xf32, #tpu.memory_space<hbm>>
      tpu.wait_indirect_dma semaphore(%arg10 : memref<!tpu.dma_semaphore, #tpu.memory_space<semaphore_mem>>) src(%dma_wait3A_753 : memref<10400000x8xf32, #tpu.memory_space<hbm>>) dst(%dma_wait3A_747 : memref<128x8xf32, #tpu.memory_space<vmem>>)
      %dma_wait3A_754 = arith.constant 23 : i32
      %dma_wait3A_755 = arith.constant 23 : i32
      %dma_wait3A_756 = arith.constant 0 : i32
      %dma_wait3A_757 = arith.constant 0 : i32
      %dma_wait3A_758 = tpu.memref_slice %arg8[%dma_wait3A_755, %dma_wait3A_756, %dma_wait3A_757] : memref<32x128x8xf32, #tpu.memory_space<vmem>> -> memref<1x128x8xf32, #tpu.memory_space<vmem>>
      %dma_wait3A_759 = tpu.memref_squeeze %dma_wait3A_758 : memref<1x128x8xf32, #tpu.memory_space<vmem>> -> memref<128x8xf32, #tpu.memory_space<vmem>>
      %dma_wait3A_760 = arith.constant 0 : i32
      %dma_wait3A_761 = tpu.memref_slice %arg6[%dma_wait3A_754, %dma_wait3A_760] : memref<32x128xi32, #tpu.memory_space<vmem>> -> memref<1x128xi32, #tpu.memory_space<vmem>>
      %dma_wait3A_762 = tpu.memref_squeeze %dma_wait3A_761 : memref<1x128xi32, #tpu.memory_space<vmem>> -> memref<128xi32, #tpu.memory_space<vmem>>
      %dma_wait3A_763 = arith.constant 0 : i32
      %dma_wait3A_764 = arith.constant 0 : i32
      %dma_wait3A_765 = tpu.memref_slice %arg3[%dma_wait3A_763, %dma_wait3A_764] : memref<10400000x8xf32, #tpu.memory_space<hbm>> -> memref<10400000x8xf32, #tpu.memory_space<hbm>>
      tpu.wait_indirect_dma semaphore(%arg10 : memref<!tpu.dma_semaphore, #tpu.memory_space<semaphore_mem>>) src(%dma_wait3A_765 : memref<10400000x8xf32, #tpu.memory_space<hbm>>) dst(%dma_wait3A_759 : memref<128x8xf32, #tpu.memory_space<vmem>>)
      %dma_wait3A_766 = arith.constant 24 : i32
      %dma_wait3A_767 = arith.constant 24 : i32
      %dma_wait3A_768 = arith.constant 0 : i32
      %dma_wait3A_769 = arith.constant 0 : i32
      %dma_wait3A_770 = tpu.memref_slice %arg8[%dma_wait3A_767, %dma_wait3A_768, %dma_wait3A_769] : memref<32x128x8xf32, #tpu.memory_space<vmem>> -> memref<1x128x8xf32, #tpu.memory_space<vmem>>
      %dma_wait3A_771 = tpu.memref_squeeze %dma_wait3A_770 : memref<1x128x8xf32, #tpu.memory_space<vmem>> -> memref<128x8xf32, #tpu.memory_space<vmem>>
      %dma_wait3A_772 = arith.constant 0 : i32
      %dma_wait3A_773 = tpu.memref_slice %arg6[%dma_wait3A_766, %dma_wait3A_772] : memref<32x128xi32, #tpu.memory_space<vmem>> -> memref<1x128xi32, #tpu.memory_space<vmem>>
      %dma_wait3A_774 = tpu.memref_squeeze %dma_wait3A_773 : memref<1x128xi32, #tpu.memory_space<vmem>> -> memref<128xi32, #tpu.memory_space<vmem>>
      %dma_wait3A_775 = arith.constant 0 : i32
      %dma_wait3A_776 = arith.constant 0 : i32
      %dma_wait3A_777 = tpu.memref_slice %arg3[%dma_wait3A_775, %dma_wait3A_776] : memref<10400000x8xf32, #tpu.memory_space<hbm>> -> memref<10400000x8xf32, #tpu.memory_space<hbm>>
      tpu.wait_indirect_dma semaphore(%arg10 : memref<!tpu.dma_semaphore, #tpu.memory_space<semaphore_mem>>) src(%dma_wait3A_777 : memref<10400000x8xf32, #tpu.memory_space<hbm>>) dst(%dma_wait3A_771 : memref<128x8xf32, #tpu.memory_space<vmem>>)
      %dma_wait3A_778 = arith.constant 25 : i32
      %dma_wait3A_779 = arith.constant 25 : i32
      %dma_wait3A_780 = arith.constant 0 : i32
      %dma_wait3A_781 = arith.constant 0 : i32
      %dma_wait3A_782 = tpu.memref_slice %arg8[%dma_wait3A_779, %dma_wait3A_780, %dma_wait3A_781] : memref<32x128x8xf32, #tpu.memory_space<vmem>> -> memref<1x128x8xf32, #tpu.memory_space<vmem>>
      %dma_wait3A_783 = tpu.memref_squeeze %dma_wait3A_782 : memref<1x128x8xf32, #tpu.memory_space<vmem>> -> memref<128x8xf32, #tpu.memory_space<vmem>>
      %dma_wait3A_784 = arith.constant 0 : i32
      %dma_wait3A_785 = tpu.memref_slice %arg6[%dma_wait3A_778, %dma_wait3A_784] : memref<32x128xi32, #tpu.memory_space<vmem>> -> memref<1x128xi32, #tpu.memory_space<vmem>>
      %dma_wait3A_786 = tpu.memref_squeeze %dma_wait3A_785 : memref<1x128xi32, #tpu.memory_space<vmem>> -> memref<128xi32, #tpu.memory_space<vmem>>
      %dma_wait3A_787 = arith.constant 0 : i32
      %dma_wait3A_788 = arith.constant 0 : i32
      %dma_wait3A_789 = tpu.memref_slice %arg3[%dma_wait3A_787, %dma_wait3A_788] : memref<10400000x8xf32, #tpu.memory_space<hbm>> -> memref<10400000x8xf32, #tpu.memory_space<hbm>>
      tpu.wait_indirect_dma semaphore(%arg10 : memref<!tpu.dma_semaphore, #tpu.memory_space<semaphore_mem>>) src(%dma_wait3A_789 : memref<10400000x8xf32, #tpu.memory_space<hbm>>) dst(%dma_wait3A_783 : memref<128x8xf32, #tpu.memory_space<vmem>>)
      %dma_wait3A_790 = arith.constant 26 : i32
      %dma_wait3A_791 = arith.constant 26 : i32
      %dma_wait3A_792 = arith.constant 0 : i32
      %dma_wait3A_793 = arith.constant 0 : i32
      %dma_wait3A_794 = tpu.memref_slice %arg8[%dma_wait3A_791, %dma_wait3A_792, %dma_wait3A_793] : memref<32x128x8xf32, #tpu.memory_space<vmem>> -> memref<1x128x8xf32, #tpu.memory_space<vmem>>
      %dma_wait3A_795 = tpu.memref_squeeze %dma_wait3A_794 : memref<1x128x8xf32, #tpu.memory_space<vmem>> -> memref<128x8xf32, #tpu.memory_space<vmem>>
      %dma_wait3A_796 = arith.constant 0 : i32
      %dma_wait3A_797 = tpu.memref_slice %arg6[%dma_wait3A_790, %dma_wait3A_796] : memref<32x128xi32, #tpu.memory_space<vmem>> -> memref<1x128xi32, #tpu.memory_space<vmem>>
      %dma_wait3A_798 = tpu.memref_squeeze %dma_wait3A_797 : memref<1x128xi32, #tpu.memory_space<vmem>> -> memref<128xi32, #tpu.memory_space<vmem>>
      %dma_wait3A_799 = arith.constant 0 : i32
      %dma_wait3A_800 = arith.constant 0 : i32
      %dma_wait3A_801 = tpu.memref_slice %arg3[%dma_wait3A_799, %dma_wait3A_800] : memref<10400000x8xf32, #tpu.memory_space<hbm>> -> memref<10400000x8xf32, #tpu.memory_space<hbm>>
      tpu.wait_indirect_dma semaphore(%arg10 : memref<!tpu.dma_semaphore, #tpu.memory_space<semaphore_mem>>) src(%dma_wait3A_801 : memref<10400000x8xf32, #tpu.memory_space<hbm>>) dst(%dma_wait3A_795 : memref<128x8xf32, #tpu.memory_space<vmem>>)
      %dma_wait3A_802 = arith.constant 27 : i32
      %dma_wait3A_803 = arith.constant 27 : i32
      %dma_wait3A_804 = arith.constant 0 : i32
      %dma_wait3A_805 = arith.constant 0 : i32
      %dma_wait3A_806 = tpu.memref_slice %arg8[%dma_wait3A_803, %dma_wait3A_804, %dma_wait3A_805] : memref<32x128x8xf32, #tpu.memory_space<vmem>> -> memref<1x128x8xf32, #tpu.memory_space<vmem>>
      %dma_wait3A_807 = tpu.memref_squeeze %dma_wait3A_806 : memref<1x128x8xf32, #tpu.memory_space<vmem>> -> memref<128x8xf32, #tpu.memory_space<vmem>>
      %dma_wait3A_808 = arith.constant 0 : i32
      %dma_wait3A_809 = tpu.memref_slice %arg6[%dma_wait3A_802, %dma_wait3A_808] : memref<32x128xi32, #tpu.memory_space<vmem>> -> memref<1x128xi32, #tpu.memory_space<vmem>>
      %dma_wait3A_810 = tpu.memref_squeeze %dma_wait3A_809 : memref<1x128xi32, #tpu.memory_space<vmem>> -> memref<128xi32, #tpu.memory_space<vmem>>
      %dma_wait3A_811 = arith.constant 0 : i32
      %dma_wait3A_812 = arith.constant 0 : i32
      %dma_wait3A_813 = tpu.memref_slice %arg3[%dma_wait3A_811, %dma_wait3A_812] : memref<10400000x8xf32, #tpu.memory_space<hbm>> -> memref<10400000x8xf32, #tpu.memory_space<hbm>>
      tpu.wait_indirect_dma semaphore(%arg10 : memref<!tpu.dma_semaphore, #tpu.memory_space<semaphore_mem>>) src(%dma_wait3A_813 : memref<10400000x8xf32, #tpu.memory_space<hbm>>) dst(%dma_wait3A_807 : memref<128x8xf32, #tpu.memory_space<vmem>>)
      %dma_wait3A_814 = arith.constant 28 : i32
      %dma_wait3A_815 = arith.constant 28 : i32
      %dma_wait3A_816 = arith.constant 0 : i32
      %dma_wait3A_817 = arith.constant 0 : i32
      %dma_wait3A_818 = tpu.memref_slice %arg8[%dma_wait3A_815, %dma_wait3A_816, %dma_wait3A_817] : memref<32x128x8xf32, #tpu.memory_space<vmem>> -> memref<1x128x8xf32, #tpu.memory_space<vmem>>
      %dma_wait3A_819 = tpu.memref_squeeze %dma_wait3A_818 : memref<1x128x8xf32, #tpu.memory_space<vmem>> -> memref<128x8xf32, #tpu.memory_space<vmem>>
      %dma_wait3A_820 = arith.constant 0 : i32
      %dma_wait3A_821 = tpu.memref_slice %arg6[%dma_wait3A_814, %dma_wait3A_820] : memref<32x128xi32, #tpu.memory_space<vmem>> -> memref<1x128xi32, #tpu.memory_space<vmem>>
      %dma_wait3A_822 = tpu.memref_squeeze %dma_wait3A_821 : memref<1x128xi32, #tpu.memory_space<vmem>> -> memref<128xi32, #tpu.memory_space<vmem>>
      %dma_wait3A_823 = arith.constant 0 : i32
      %dma_wait3A_824 = arith.constant 0 : i32
      %dma_wait3A_825 = tpu.memref_slice %arg3[%dma_wait3A_823, %dma_wait3A_824] : memref<10400000x8xf32, #tpu.memory_space<hbm>> -> memref<10400000x8xf32, #tpu.memory_space<hbm>>
      tpu.wait_indirect_dma semaphore(%arg10 : memref<!tpu.dma_semaphore, #tpu.memory_space<semaphore_mem>>) src(%dma_wait3A_825 : memref<10400000x8xf32, #tpu.memory_space<hbm>>) dst(%dma_wait3A_819 : memref<128x8xf32, #tpu.memory_space<vmem>>)
      %dma_wait3A_826 = arith.constant 29 : i32
      %dma_wait3A_827 = arith.constant 29 : i32
      %dma_wait3A_828 = arith.constant 0 : i32
      %dma_wait3A_829 = arith.constant 0 : i32
      %dma_wait3A_830 = tpu.memref_slice %arg8[%dma_wait3A_827, %dma_wait3A_828, %dma_wait3A_829] : memref<32x128x8xf32, #tpu.memory_space<vmem>> -> memref<1x128x8xf32, #tpu.memory_space<vmem>>
      %dma_wait3A_831 = tpu.memref_squeeze %dma_wait3A_830 : memref<1x128x8xf32, #tpu.memory_space<vmem>> -> memref<128x8xf32, #tpu.memory_space<vmem>>
      %dma_wait3A_832 = arith.constant 0 : i32
      %dma_wait3A_833 = tpu.memref_slice %arg6[%dma_wait3A_826, %dma_wait3A_832] : memref<32x128xi32, #tpu.memory_space<vmem>> -> memref<1x128xi32, #tpu.memory_space<vmem>>
      %dma_wait3A_834 = tpu.memref_squeeze %dma_wait3A_833 : memref<1x128xi32, #tpu.memory_space<vmem>> -> memref<128xi32, #tpu.memory_space<vmem>>
      %dma_wait3A_835 = arith.constant 0 : i32
      %dma_wait3A_836 = arith.constant 0 : i32
      %dma_wait3A_837 = tpu.memref_slice %arg3[%dma_wait3A_835, %dma_wait3A_836] : memref<10400000x8xf32, #tpu.memory_space<hbm>> -> memref<10400000x8xf32, #tpu.memory_space<hbm>>
      tpu.wait_indirect_dma semaphore(%arg10 : memref<!tpu.dma_semaphore, #tpu.memory_space<semaphore_mem>>) src(%dma_wait3A_837 : memref<10400000x8xf32, #tpu.memory_space<hbm>>) dst(%dma_wait3A_831 : memref<128x8xf32, #tpu.memory_space<vmem>>)
      %dma_wait3A_838 = arith.constant 30 : i32
      %dma_wait3A_839 = arith.constant 30 : i32
      %dma_wait3A_840 = arith.constant 0 : i32
      %dma_wait3A_841 = arith.constant 0 : i32
      %dma_wait3A_842 = tpu.memref_slice %arg8[%dma_wait3A_839, %dma_wait3A_840, %dma_wait3A_841] : memref<32x128x8xf32, #tpu.memory_space<vmem>> -> memref<1x128x8xf32, #tpu.memory_space<vmem>>
      %dma_wait3A_843 = tpu.memref_squeeze %dma_wait3A_842 : memref<1x128x8xf32, #tpu.memory_space<vmem>> -> memref<128x8xf32, #tpu.memory_space<vmem>>
      %dma_wait3A_844 = arith.constant 0 : i32
      %dma_wait3A_845 = tpu.memref_slice %arg6[%dma_wait3A_838, %dma_wait3A_844] : memref<32x128xi32, #tpu.memory_space<vmem>> -> memref<1x128xi32, #tpu.memory_space<vmem>>
      %dma_wait3A_846 = tpu.memref_squeeze %dma_wait3A_845 : memref<1x128xi32, #tpu.memory_space<vmem>> -> memref<128xi32, #tpu.memory_space<vmem>>
      %dma_wait3A_847 = arith.constant 0 : i32
      %dma_wait3A_848 = arith.constant 0 : i32
      %dma_wait3A_849 = tpu.memref_slice %arg3[%dma_wait3A_847, %dma_wait3A_848] : memref<10400000x8xf32, #tpu.memory_space<hbm>> -> memref<10400000x8xf32, #tpu.memory_space<hbm>>
      tpu.wait_indirect_dma semaphore(%arg10 : memref<!tpu.dma_semaphore, #tpu.memory_space<semaphore_mem>>) src(%dma_wait3A_849 : memref<10400000x8xf32, #tpu.memory_space<hbm>>) dst(%dma_wait3A_843 : memref<128x8xf32, #tpu.memory_space<vmem>>)
      %dma_wait3A_850 = arith.constant 31 : i32
      %dma_wait3A_851 = arith.constant 31 : i32
      %dma_wait3A_852 = arith.constant 0 : i32
      %dma_wait3A_853 = arith.constant 0 : i32
      %dma_wait3A_854 = tpu.memref_slice %arg8[%dma_wait3A_851, %dma_wait3A_852, %dma_wait3A_853] : memref<32x128x8xf32, #tpu.memory_space<vmem>> -> memref<1x128x8xf32, #tpu.memory_space<vmem>>
      %dma_wait3A_855 = tpu.memref_squeeze %dma_wait3A_854 : memref<1x128x8xf32, #tpu.memory_space<vmem>> -> memref<128x8xf32, #tpu.memory_space<vmem>>
      %dma_wait3A_856 = arith.constant 0 : i32
      %dma_wait3A_857 = tpu.memref_slice %arg6[%dma_wait3A_850, %dma_wait3A_856] : memref<32x128xi32, #tpu.memory_space<vmem>> -> memref<1x128xi32, #tpu.memory_space<vmem>>
      %dma_wait3A_858 = tpu.memref_squeeze %dma_wait3A_857 : memref<1x128xi32, #tpu.memory_space<vmem>> -> memref<128xi32, #tpu.memory_space<vmem>>
      %dma_wait3A_859 = arith.constant 0 : i32
      %dma_wait3A_860 = arith.constant 0 : i32
      %dma_wait3A_861 = tpu.memref_slice %arg3[%dma_wait3A_859, %dma_wait3A_860] : memref<10400000x8xf32, #tpu.memory_space<hbm>> -> memref<10400000x8xf32, #tpu.memory_space<hbm>>
      tpu.wait_indirect_dma semaphore(%arg10 : memref<!tpu.dma_semaphore, #tpu.memory_space<semaphore_mem>>) src(%dma_wait3A_861 : memref<10400000x8xf32, #tpu.memory_space<hbm>>) dst(%dma_wait3A_855 : memref<128x8xf32, #tpu.memory_space<vmem>>)
      %gt3A = arith.constant 0 : i32
      %gt3A_862 = arith.cmpi sgt, %scan3A_11, %gt3A : i32
      %convert_element_type3A = arith.extui %gt3A_862 : i1 to i32
      %cond3A = arith.constant 0 : i32
      %cond3A_863 = arith.cmpi ne, %convert_element_type3A, %cond3A : i32
      scf.if %cond3A_863 {
        %sub3A = arith.constant 1 : i32
        %sub3A_874 = arith.subi %scan3A_11, %sub3A : i32
        %mul3A_875 = arith.constant 32 : i32
        %mul3A_876 = arith.muli %sub3A_874, %mul3A_875 : i32
        %dma_wait3A_877 = tpu.memref_slice %arg4[%mul3A_876, %mul3A_2] : memref<832x4096xf32, #tpu.memory_space<hbm>> -> memref<32x128xf32, #tpu.memory_space<hbm>>
        %dma_wait3A_878 = tpu.memref_slice %arg4[%mul3A_876, %mul3A_2] : memref<832x4096xf32, #tpu.memory_space<hbm>> -> memref<32x128xf32, #tpu.memory_space<hbm>>
        tpu.wait_dma2 semaphore(%arg11 : memref<!tpu.dma_semaphore, #tpu.memory_space<semaphore_mem>>) src(%arg9 : memref<32x128xf32, #tpu.memory_space<vmem>>) dst(%dma_wait3A_878 : memref<32x128xf32, #tpu.memory_space<hbm>>)
      } else {
      }
      %scan3A_864 = arith.constant 0 : i32
      %scan3A_865 = arith.constant 0 : i32
      %scan3A_866 = arith.constant 32 : i32
      %scan3A_867 = arith.addi %scan3A_865, %scan3A_866 : i32
      %scan3A_868 = arith.constant 1 : i32
      scf.for %scan3A_874 = %scan3A_865 to %scan3A_867 step %scan3A_868  : i32 {
        %broadcast_in_dim3A = arith.constant 0 : i32
        %broadcast_in_dim3A_875 = vector.broadcast %broadcast_in_dim3A : i32 to vector<16xi32>
        %add3A_876 = vector.broadcast %scan3A_874 : i32 to vector<16xi32>
        %add3A_877 = arith.addi %broadcast_in_dim3A_875, %add3A_876 : vector<16xi32>
        %add3A_878 = arith.constant 0 : i32
        %add3A_879 = vector.broadcast %add3A_878 : i32 to vector<16xi32>
        %add3A_880 = arith.addi %add3A_879, %iota3A : vector<16xi32>
        %get3A_881 = arith.constant 0 : i32
        %get3A_882 = arith.index_cast %get3A_881 : i32 to index
        %get3A_883 = arith.constant 0 : index
        %get3A_884 = tpu.vector_load %arg7[%get3A_882, %get3A_883] {strides = array<i32>} : memref<8x16xi32, #tpu.memory_space<vmem>>, vector<16xi32>,
        %gather3A = tpu.vector_load_idx %arg8[%add3A_877, %add3A_880, %get3A_884] : memref<32x128x8xf32, #tpu.memory_space<vmem>>[vector<16xi32>, vector<16xi32>, vector<16xi32>], vector<16xf32>,
        %swap3A_885 = arith.index_cast %scan3A_874 : i32 to index
        %swap3A_886 = arith.constant 0 : index
        %swap3A_887 = tpu.vector_load %arg9[%swap3A_885, %swap3A_886] {strides = array<i32>} : memref<32x128xf32, #tpu.memory_space<vmem>>, vector<16xf32>,
        tpu.vector_store %arg9[%swap3A_885, %swap3A_886], %gather3A {strides = array<i32>} : memref<32x128xf32, #tpu.memory_space<vmem>>, vector<16xf32>,
        %add3A_888 = arith.constant 16 : i32
        %add3A_889 = vector.broadcast %add3A_888 : i32 to vector<16xi32>
        %add3A_890 = arith.addi %add3A_889, %iota3A : vector<16xi32>
        %get3A_891 = arith.constant 1 : i32
        %get3A_892 = arith.index_cast %get3A_891 : i32 to index
        %get3A_893 = arith.constant 0 : index
        %get3A_894 = tpu.vector_load %arg7[%get3A_892, %get3A_893] {strides = array<i32>} : memref<8x16xi32, #tpu.memory_space<vmem>>, vector<16xi32>,
        %gather3A_895 = tpu.vector_load_idx %arg8[%add3A_877, %add3A_890, %get3A_894] : memref<32x128x8xf32, #tpu.memory_space<vmem>>[vector<16xi32>, vector<16xi32>, vector<16xi32>], vector<16xf32>,
        %swap3A_896 = arith.index_cast %scan3A_874 : i32 to index
        %swap3A_897 = arith.constant 16 : index
        %swap3A_898 = tpu.vector_load %arg9[%swap3A_896, %swap3A_897] {strides = array<i32>} : memref<32x128xf32, #tpu.memory_space<vmem>>, vector<16xf32>,
        tpu.vector_store %arg9[%swap3A_896, %swap3A_897], %gather3A_895 {strides = array<i32>} : memref<32x128xf32, #tpu.memory_space<vmem>>, vector<16xf32>,
        %add3A_899 = arith.constant 32 : i32
        %add3A_900 = vector.broadcast %add3A_899 : i32 to vector<16xi32>
        %add3A_901 = arith.addi %add3A_900, %iota3A : vector<16xi32>
        %get3A_902 = arith.constant 2 : i32
        %get3A_903 = arith.index_cast %get3A_902 : i32 to index
        %get3A_904 = arith.constant 0 : index
        %get3A_905 = tpu.vector_load %arg7[%get3A_903, %get3A_904] {strides = array<i32>} : memref<8x16xi32, #tpu.memory_space<vmem>>, vector<16xi32>,
        %gather3A_906 = tpu.vector_load_idx %arg8[%add3A_877, %add3A_901, %get3A_905] : memref<32x128x8xf32, #tpu.memory_space<vmem>>[vector<16xi32>, vector<16xi32>, vector<16xi32>], vector<16xf32>,
        %swap3A_907 = arith.index_cast %scan3A_874 : i32 to index
        %swap3A_908 = arith.constant 32 : index
        %swap3A_909 = tpu.vector_load %arg9[%swap3A_907, %swap3A_908] {strides = array<i32>} : memref<32x128xf32, #tpu.memory_space<vmem>>, vector<16xf32>,
        tpu.vector_store %arg9[%swap3A_907, %swap3A_908], %gather3A_906 {strides = array<i32>} : memref<32x128xf32, #tpu.memory_space<vmem>>, vector<16xf32>,
        %add3A_910 = arith.constant 48 : i32
        %add3A_911 = vector.broadcast %add3A_910 : i32 to vector<16xi32>
        %add3A_912 = arith.addi %add3A_911, %iota3A : vector<16xi32>
        %get3A_913 = arith.constant 3 : i32
        %get3A_914 = arith.index_cast %get3A_913 : i32 to index
        %get3A_915 = arith.constant 0 : index
        %get3A_916 = tpu.vector_load %arg7[%get3A_914, %get3A_915] {strides = array<i32>} : memref<8x16xi32, #tpu.memory_space<vmem>>, vector<16xi32>,
        %gather3A_917 = tpu.vector_load_idx %arg8[%add3A_877, %add3A_912, %get3A_916] : memref<32x128x8xf32, #tpu.memory_space<vmem>>[vector<16xi32>, vector<16xi32>, vector<16xi32>], vector<16xf32>,
        %swap3A_918 = arith.index_cast %scan3A_874 : i32 to index
        %swap3A_919 = arith.constant 48 : index
        %swap3A_920 = tpu.vector_load %arg9[%swap3A_918, %swap3A_919] {strides = array<i32>} : memref<32x128xf32, #tpu.memory_space<vmem>>, vector<16xf32>,
        tpu.vector_store %arg9[%swap3A_918, %swap3A_919], %gather3A_917 {strides = array<i32>} : memref<32x128xf32, #tpu.memory_space<vmem>>, vector<16xf32>,
        %add3A_921 = arith.constant 64 : i32
        %add3A_922 = vector.broadcast %add3A_921 : i32 to vector<16xi32>
        %add3A_923 = arith.addi %add3A_922, %iota3A : vector<16xi32>
        %get3A_924 = arith.constant 4 : i32
        %get3A_925 = arith.index_cast %get3A_924 : i32 to index
        %get3A_926 = arith.constant 0 : index
        %get3A_927 = tpu.vector_load %arg7[%get3A_925, %get3A_926] {strides = array<i32>} : memref<8x16xi32, #tpu.memory_space<vmem>>, vector<16xi32>,
        %gather3A_928 = tpu.vector_load_idx %arg8[%add3A_877, %add3A_923, %get3A_927] : memref<32x128x8xf32, #tpu.memory_space<vmem>>[vector<16xi32>, vector<16xi32>, vector<16xi32>], vector<16xf32>,
        %swap3A_929 = arith.index_cast %scan3A_874 : i32 to index
        %swap3A_930 = arith.constant 64 : index
        %swap3A_931 = tpu.vector_load %arg9[%swap3A_929, %swap3A_930] {strides = array<i32>} : memref<32x128xf32, #tpu.memory_space<vmem>>, vector<16xf32>,
        tpu.vector_store %arg9[%swap3A_929, %swap3A_930], %gather3A_928 {strides = array<i32>} : memref<32x128xf32, #tpu.memory_space<vmem>>, vector<16xf32>,
        %add3A_932 = arith.constant 80 : i32
        %add3A_933 = vector.broadcast %add3A_932 : i32 to vector<16xi32>
        %add3A_934 = arith.addi %add3A_933, %iota3A : vector<16xi32>
        %get3A_935 = arith.constant 5 : i32
        %get3A_936 = arith.index_cast %get3A_935 : i32 to index
        %get3A_937 = arith.constant 0 : index
        %get3A_938 = tpu.vector_load %arg7[%get3A_936, %get3A_937] {strides = array<i32>} : memref<8x16xi32, #tpu.memory_space<vmem>>, vector<16xi32>,
        %gather3A_939 = tpu.vector_load_idx %arg8[%add3A_877, %add3A_934, %get3A_938] : memref<32x128x8xf32, #tpu.memory_space<vmem>>[vector<16xi32>, vector<16xi32>, vector<16xi32>], vector<16xf32>,
        %swap3A_940 = arith.index_cast %scan3A_874 : i32 to index
        %swap3A_941 = arith.constant 80 : index
        %swap3A_942 = tpu.vector_load %arg9[%swap3A_940, %swap3A_941] {strides = array<i32>} : memref<32x128xf32, #tpu.memory_space<vmem>>, vector<16xf32>,
        tpu.vector_store %arg9[%swap3A_940, %swap3A_941], %gather3A_939 {strides = array<i32>} : memref<32x128xf32, #tpu.memory_space<vmem>>, vector<16xf32>,
        %add3A_943 = arith.constant 96 : i32
        %add3A_944 = vector.broadcast %add3A_943 : i32 to vector<16xi32>
        %add3A_945 = arith.addi %add3A_944, %iota3A : vector<16xi32>
        %get3A_946 = arith.constant 6 : i32
        %get3A_947 = arith.index_cast %get3A_946 : i32 to index
        %get3A_948 = arith.constant 0 : index
        %get3A_949 = tpu.vector_load %arg7[%get3A_947, %get3A_948] {strides = array<i32>} : memref<8x16xi32, #tpu.memory_space<vmem>>, vector<16xi32>,
        %gather3A_950 = tpu.vector_load_idx %arg8[%add3A_877, %add3A_945, %get3A_949] : memref<32x128x8xf32, #tpu.memory_space<vmem>>[vector<16xi32>, vector<16xi32>, vector<16xi32>], vector<16xf32>,
        %swap3A_951 = arith.index_cast %scan3A_874 : i32 to index
        %swap3A_952 = arith.constant 96 : index
        %swap3A_953 = tpu.vector_load %arg9[%swap3A_951, %swap3A_952] {strides = array<i32>} : memref<32x128xf32, #tpu.memory_space<vmem>>, vector<16xf32>,
        tpu.vector_store %arg9[%swap3A_951, %swap3A_952], %gather3A_950 {strides = array<i32>} : memref<32x128xf32, #tpu.memory_space<vmem>>, vector<16xf32>,
        %add3A_954 = arith.constant 112 : i32
        %add3A_955 = vector.broadcast %add3A_954 : i32 to vector<16xi32>
        %add3A_956 = arith.addi %add3A_955, %iota3A : vector<16xi32>
        %get3A_957 = arith.constant 7 : i32
        %get3A_958 = arith.index_cast %get3A_957 : i32 to index
        %get3A_959 = arith.constant 0 : index
        %get3A_960 = tpu.vector_load %arg7[%get3A_958, %get3A_959] {strides = array<i32>} : memref<8x16xi32, #tpu.memory_space<vmem>>, vector<16xi32>,
        %gather3A_961 = tpu.vector_load_idx %arg8[%add3A_877, %add3A_956, %get3A_960] : memref<32x128x8xf32, #tpu.memory_space<vmem>>[vector<16xi32>, vector<16xi32>, vector<16xi32>], vector<16xf32>,
        %swap3A_962 = arith.index_cast %scan3A_874 : i32 to index
        %swap3A_963 = arith.constant 112 : index
        %swap3A_964 = tpu.vector_load %arg9[%swap3A_962, %swap3A_963] {strides = array<i32>} : memref<32x128xf32, #tpu.memory_space<vmem>>, vector<16xf32>,
        tpu.vector_store %arg9[%swap3A_962, %swap3A_963], %gather3A_961 {strides = array<i32>} : memref<32x128xf32, #tpu.memory_space<vmem>>, vector<16xf32>,
      }
      %scan3A_869 = arith.constant 32 : i32
      %mul3A_870 = arith.constant 32 : i32
      %mul3A_871 = arith.muli %scan3A_11, %mul3A_870 : i32
      %dma_start3A_872 = tpu.memref_slice %arg4[%mul3A_871, %mul3A_2] : memref<832x4096xf32, #tpu.memory_space<hbm>> -> memref<32x128xf32, #tpu.memory_space<hbm>>
      %dma_start3A_873 = tpu.memref_slice %arg4[%mul3A_871, %mul3A_2] : memref<832x4096xf32, #tpu.memory_space<hbm>> -> memref<32x128xf32, #tpu.memory_space<hbm>>
      tpu.enqueue_dma source(%arg9 : memref<32x128xf32, #tpu.memory_space<vmem>>) target(%dma_start3A_873 : memref<32x128xf32, #tpu.memory_space<hbm>>) target_semaphore(%arg11 : memref<!tpu.dma_semaphore, #tpu.memory_space<semaphore_mem>>)
    }
    %scan3A_7 = arith.constant 26 : i32
    %dma_wait3A = arith.constant 800 : i32
    %dma_wait3A_8 = tpu.memref_slice %arg4[%dma_wait3A, %mul3A_2] : memref<832x4096xf32, #tpu.memory_space<hbm>> -> memref<32x128xf32, #tpu.memory_space<hbm>>
    %dma_wait3A_9 = arith.constant 800 : i32
    %dma_wait3A_10 = tpu.memref_slice %arg4[%dma_wait3A_9, %mul3A_2] : memref<832x4096xf32, #tpu.memory_space<hbm>> -> memref<32x128xf32, #tpu.memory_space<hbm>>
    tpu.wait_dma2 semaphore(%arg11 : memref<!tpu.dma_semaphore, #tpu.memory_space<semaphore_mem>>) src(%arg9 : memref<32x128xf32, #tpu.memory_space<vmem>>) dst(%dma_wait3A_10 : memref<32x128xf32, #tpu.memory_space<hbm>>)
    return
  }
}

module attributes {stable_mosaic.version = 14 : i64} {
  func.func @_proj_body(%arg0: i32, %arg1: memref<832x512xf32, #tpu.memory_space<vmem>>, %arg2: memref<832x1024xf32, #tpu.memory_space<vmem>>, %arg3: memref<1x1024xf32, #tpu.memory_space<vmem>>, %arg4: memref<512x1024xf32, #tpu.memory_space<vmem>>) attributes {dimension_semantics = [#tpu.dimension_semantics<arbitrary>], iteration_bounds = array<i64: 8>, scalar_prefetch = 0 : i64, scratch_operands = 0 : i64, tpu.core_type = #tpu.core_type<tc>, window_params = [{transform_indices = @transform_0, window_bounds = array<i64: 832, 512>}, {pipeline_mode = #tpu.pipeline_mode<synchronous>, transform_indices = @transform_1, window_bounds = array<i64: 832, 1024>}, {pipeline_mode = #tpu.pipeline_mode<synchronous>, transform_indices = @transform_2, window_bounds = array<i64: 1, 1024>}, {transform_indices = @transform_3, window_bounds = array<i64: 512, 1024>}]} {
    %get3A = arith.constant 0 : index
    %get3A_0 = arith.constant 0 : index
    %get3A_1 = vector.load %arg1[%get3A, %get3A_0] : memref<832x512xf32, #tpu.memory_space<vmem>>, vector<832x512xf32>
    %get3A_2 = arith.constant 0 : index
    %get3A_3 = arith.constant 0 : index
    %get3A_4 = vector.load %arg2[%get3A_2, %get3A_3] : memref<832x1024xf32, #tpu.memory_space<vmem>>, vector<832x1024xf32>
    %dot_general3A = arith.constant dense<0.000000e+00> : vector<512x1024xf32>
    %dot_general3A_5 = tpu.matmul %get3A_1, %get3A_4, %dot_general3A {dimension_numbers = #tpu.dot_dimension_numbers<[0], [0], [1], [1], [0, 1, 1, 1], [], []>, transpose_lhs_hint = false} : vector<832x512xf32>, vector<832x1024xf32>, vector<512x1024xf32> -> vector<512x1024xf32>
    %mul3A = arith.constant 5.65685415 : f32
    %mul3A_6 = vector.broadcast %mul3A : f32 to vector<512x1024xf32>
    %mul3A_7 = arith.mulf %dot_general3A_5, %mul3A_6 : vector<512x1024xf32>
    %get3A_8 = arith.constant 0 : index
    %get3A_9 = arith.constant 0 : index
    %get3A_10 = vector.load %arg3[%get3A_8, %get3A_9] : memref<1x1024xf32, #tpu.memory_space<vmem>>, vector<1x1024xf32>
    %add3A = vector.broadcast %get3A_10 : vector<1x1024xf32> to vector<512x1024xf32>
    %add3A_11 = arith.addf %mul3A_7, %add3A : vector<512x1024xf32>
    %swap3A = arith.constant 0 : index
    %swap3A_12 = arith.constant 0 : index
    %swap3A_13 = vector.load %arg4[%swap3A, %swap3A_12] : memref<512x1024xf32, #tpu.memory_space<vmem>>, vector<512x1024xf32>
    tpu.vector_store %arg4[%swap3A, %swap3A_12], %add3A_11 {strides = array<i32>} : memref<512x1024xf32, #tpu.memory_space<vmem>>, vector<512x1024xf32>,
    return
  }
  func.func @transform_0(%arg0: i32) -> (i32, i32) {
    %c0_i32 = arith.constant 0 : i32
    %c0_i32_0 = arith.constant 0 : i32
    return %c0_i32, %arg0 : i32, i32
  }
  func.func @transform_1(%arg0: i32) -> (i32, i32) {
    %c0_i32 = arith.constant 0 : i32
    %c0_i32_0 = arith.constant 0 : i32
    %c0_i32_1 = arith.constant 0 : i32
    return %c0_i32, %c0_i32_0 : i32, i32
  }
  func.func @transform_2(%arg0: i32) -> (i32, i32) {
    %c0_i32 = arith.constant 0 : i32
    %c0_i32_0 = arith.constant 0 : i32
    %c0_i32_1 = arith.constant 0 : i32
    return %c0_i32, %c0_i32_0 : i32, i32
  }
  func.func @transform_3(%arg0: i32) -> (i32, i32) {
    %c0_i32 = arith.constant 0 : i32
    %c0_i32_0 = arith.constant 0 : i32
    return %arg0, %c0_i32 : i32, i32
  }
}

</mosaic_0001>

<sc_bundles>
// kernel: kernel.4.cloned.1.call-start
scs
__scs_entry_jumppad:
0x0: {  	(pc) =	sbr.rel $0x88, $3  }
0x1: {  	(tag) =	ssettag $0x0;
	lr =	simm.s32 $0x1  }
0x2: {  	[smem:$0x3F9D] =	sst lr;
	_ =	strace $0xD0000000  }
0x3: {  	_ = 	snop  }
0x4: {  	_ = 	snop  }
0x5: {  	_ = 	snop  }
0x6: {  	_ = 	snop  }
0x7: {  	_ = 	snop  }
__scs_overlays_trampoline_lowered:
0x8: {  	[smem:$0x3FAC] =	sst s0  }
0x9: {  	[smem:$0x3FAD] =	sst s1  }
0xa: {  	[smem:$0x3FAE] =	sst s2  }
0xb: {  	[smem:$0x3FAF] =	sst s3  }
0xc: {  	[smem:$0x3FB0] =	sst s4  }
0xd: {  	[smem:$0x3FB1] =	sst s5  }
0xe: {  	[smem:$0x3FB2] =	sst s6  }
0xf: {  	[smem:$0x3FB3] =	sst s7  }
0x10: {  	[smem:$0x3FB4] =	sst s8  }
0x11: {  	[smem:$0x3FB5] =	sst s9;
	s0 =	simm.s32 @!p0 $0x0  }
0x12: {  	s1 =	sld [smem:$0x3F9B];
	s0 =	simm.s32 @p0 $0x1  }
0x13: {  	[smem:$0x3FB6] =	sst s0;
	s0 =	simm.s32 @!p1 $0x0  }
0x14: {  	s2 =	sld [smem:$0x3F9A];
	s0 =	simm.s32 @p1 $0x1  }
0x15: {  	[smem:$0x3FB7] =	sst s0;
	s0 =	simm.s32 @!p2 $0x0  }
0x16: {  	s3 =	sld [smem:$0x3FDB];
	s0 =	simm.s32 @p2 $0x1  }
0x17: {  	s4 =	simm.s32 $0x1BF5;
	[smem:$0x3FB9] =	sst s0  }
0x18: {  	s0 =	sld [smem:$0x3F9C];
	_ =	swait.ge [sflag:s4], $0x0  }
0x19: {  	s7 =	sld [smem:$0x3F9D]  }
0x1a: {  	s8 =	sadd.s32 $0xFFFFE003, lr  }
0x1b: {  	s9 =	sadd.s32 $0xFFFFFEF7, lr;
	s5 =	simm.s32 $0xFFFFFFFF;
	p2 =	slt.u32 s8, $0xFFFFF086  }
0x1c: {  	p1 =	slt.u32 s9, $0xF7A;
	s5 =	simm.s32 @!p2 $0x0  }
0x1d: {  	s5 =	simm.s32 @p1 $0x1;
	p0 =	seq.s32 s7, s2  }
0x1e: {  	s7 =	smul.u32 @!p0 $0xF7A, s2;
	p2 =	seq.s32 @!p0 s5, $0x0  }
0x1f: {  	s9 =	smul.u32 $0xF7A, s1;
	s8 =	simm.s32 @!p0 $0x1BF5;
	p2 =	por !p2, p0  }
0x20: {  	[sflag:s8] =	ssyncset.s32 @!p0 $0xFFFFF086;
	s6 =	sadd.s32 @!p0 s3, s7;
	s7 =	simm.s32 @!p0 $0x108  }
0x21: {  	s3 =	sadd.s32 s3, s9;
	s6 =	sadd.s32 @!p0 $0x88, s6;
	s7 =	simm.s32 @p2 $0x1082  }
0x22: {  	[simem:s7], [sflag:s8] =	dma.local @!p0 [hbm:s6], $0xF7A  }
0x23: {  	s9 =	sor.u32 $0xD0000000, s2;
	s6 =	simm.s32 $0x108;
	_ =	swait.ge @!p0 [sflag:s8], $0x0  }
0x24: {  	s3 =	sadd.s32 $0x88, s3;
	s6 =	simm.s32 @!p1 $0x1082;
	[sflag:s4] =	ssyncset.s32 $0xFFFFF086  }
0x25: {  	[simem:s6], [sflag:s4] =	dma.local [hbm:s3], $0xF7A  }
0x26: {  	[smem:$0x3F9D] =	sst s1;
	(tag) =	ssettag s2;
	_ =	strace s9  }
0x27: {  	s1 =	sld [smem:$0x3FAD]  }
0x28: {  	s2 =	sld [smem:$0x3FAE]  }
0x29: {  	s4 =	sld [smem:$0x3FB0]  }
0x2a: {  	p0 =	seq.s32 s5, $0x0;
	s5 =	sld [smem:$0x3FB1]  }
0x2b: {  	s6 =	sld [smem:$0x3FB2]  }
0x2c: {  	s7 =	sld [smem:$0x3FB3]  }
0x2d: {  	s3 =	simm.s32 $0x108;
	s8 =	sld [smem:$0x3FB4]  }
0x2e: {  	s3 =	simm.s32 @!p0 $0x1082;
	s9 =	sld [smem:$0x3FB5]  }
0x2f: {  	lr =	sadd.s32 s0, s3;
	s0 =	sld [smem:$0x3FAC]  }
0x30: {  	s3 =	sld [smem:$0x3FAF]  }
0x31: {  	[smem:$0x3FB8] =	sst s10  }
0x32: {  	s10 =	sld [smem:$0x3FB6];
	_ =	sdelay $0x3  }
0x33: {  	p0 =	seq.s32 s10, $0x1;
	s10 =	sld [smem:$0x3FB8];
	_ =	sdelay $0x3  }
0x34: {  	[smem:$0x3FB8] =	sst s10  }
0x35: {  	s10 =	sld [smem:$0x3FB7];
	_ =	sdelay $0x3  }
0x36: {  	p1 =	seq.s32 s10, $0x1;
	s10 =	sld [smem:$0x3FB8];
	_ =	sdelay $0x3  }
0x37: {  	[smem:$0x3FB8] =	sst s10  }
0x38: {  	s10 =	sld [smem:$0x3FB9]  }
0x39: {  	_ = 	snop;
	(pc) =	sbr.ind lr, $3  }
0x3a: {  	_ = 	snop  }
0x3b: {  	_ = 	snop  }
0x3c: {  	p2 =	seq.s32 s10, $0x1;
	s10 =	sld [smem:$0x3FB8]  }
0x3d: {  	_ =	shalt  }
0x3e: {  	_ =	shalt  }
0x3f: {  	_ =	shalt  }
0x40: {  	_ =	shalt  }
0x41: {  	_ =	shalt  }
0x42: {  	_ =	shalt  }
0x43: {  	_ =	shalt  }
0x44: {  	_ =	shalt  }
0x45: {  	_ =	shalt  }
0x46: {  	_ =	shalt  }
0x47: {  	_ =	shalt  }
0x48: {  	_ =	shalt  }
0x49: {  	_ =	shalt  }
0x4a: {  	_ =	shalt  }
0x4b: {  	_ =	shalt  }
0x4c: {  	_ =	shalt  }
0x4d: {  	_ =	shalt  }
0x4e: {  	_ =	shalt  }
0x4f: {  	_ =	shalt  }
0x50: {  	_ =	shalt  }
0x51: {  	_ =	shalt  }
0x52: {  	_ =	shalt  }
0x53: {  	_ =	shalt  }
0x54: {  	_ =	shalt  }
0x55: {  	_ =	shalt  }
0x56: {  	_ =	shalt  }
0x57: {  	_ =	shalt  }
0x58: {  	_ =	shalt  }
0x59: {  	_ =	shalt  }
0x5a: {  	_ =	shalt  }
0x5b: {  	_ =	shalt  }
0x5c: {  	_ =	shalt  }
0x5d: {  	_ =	shalt  }
0x5e: {  	_ =	shalt  }
0x5f: {  	_ =	shalt  }
0x60: {  	_ =	shalt  }
0x61: {  	_ =	shalt  }
0x62: {  	_ =	shalt  }
0x63: {  	_ =	shalt  }
0x64: {  	_ =	shalt  }
0x65: {  	_ =	shalt  }
0x66: {  	_ =	shalt  }
0x67: {  	_ =	shalt  }
0x68: {  	_ =	shalt  }
0x69: {  	_ =	shalt  }
0x6a: {  	_ =	shalt  }
0x6b: {  	_ =	shalt  }
0x6c: {  	_ =	shalt  }
0x6d: {  	_ =	shalt  }
0x6e: {  	_ =	shalt  }
0x6f: {  	_ =	shalt  }
0x70: {  	_ =	shalt  }
0x71: {  	_ =	shalt  }
0x72: {  	_ =	shalt  }
0x73: {  	_ =	shalt  }
0x74: {  	_ =	shalt  }
0x75: {  	_ =	shalt  }
0x76: {  	_ =	shalt  }
0x77: {  	_ =	shalt  }
0x78: {  	_ =	shalt  }
0x79: {  	_ =	shalt  }
0x7a: {  	_ =	shalt  }
0x7b: {  	_ =	shalt  }
0x7c: {  	_ =	shalt  }
0x7d: {  	_ =	shalt  }
0x7e: {  	_ =	shalt  }
0x7f: {  	_ =	shalt  }
0x80: {  	_ =	shalt  }
0x81: {  	_ =	shalt  }
0x82: {  	_ =	shalt  }
0x83: {  	_ =	shalt  }
0x84: {  	_ =	shalt  }
0x85: {  	_ =	shalt  }
0x86: {  	_ =	shalt  }
0x87: {  	_ =	shalt  }
.Lfunc_end0:
.L_simem_size_0:
called_computation_lowered:
.L_overlay_start_0:
0x88: {  	s2 =	sld [smem:$0x3FD9]  }
0x89: {  	s3 =	sld [smem:$0x3FFE];
	_ =	sdelay $0x1  }
0x8a: {  	s1 =	srdreg.scid  }
0x8b: {  	s0 =	sand.u32 $0x1, s1  }
0x8c: {  	s17 =	sshll.u32 s0, $0xA;
	s2 =	sadd.s32 s3, s2  }
0x8d: {  	s2 =	sadd.s32 s2, s17  }
0x8e: {  	[smem:$0x3FC4] =	sst s2  }
0x8f: {  	_ = 	snop  }
0x90: {  	s2 =	sld [smem:$0x3FD0];
	(tm) =	ssettm $0x1  }
0x91: {  	s18 =	sld [smem:$0x3FFB];
	_ =	sdelay $0x3  }
0x92: {  	_ =	strace s18  }
0x93: {  	s3 =	sld [smem:$0x3FFC];
	_ =	sdelay $0x3  }
0x94: {  	_ =	strace s3  }
0x95: {  	s3 =	sld [smem:$0x3FFD];
	_ =	sdelay $0x3  }
0x96: {  	_ =	strace s3  }
0x97: {  	_ =	strace $0x8FFFFFFF  }
0x98: {  	s19 =	sld [smem:$0x3FDB];
	_ =	sdelay $0x1  }
0x99: {  	s4 =	simm.s32 $_scs_section_size  }
0x9a: {  	s5 =	simm.s32 $_size__tile_overlayer_lowered;
	s6 =	simm.s32 $_tile_overlayer_lowered  }
0x9b: {  	s22 =	simm.s32 $0x1BFF;
	s21 =	sshll.u32 s6, $0x1;
	s3 =	sadd.s32 s4, s19  }
0x9c: {  	s7 =	simm.s32 $0x0;
	s20 =	sshll.u32 s5, $0x1;
	s5 =	sadd.s32 s21, s3  }
0x9d: {  	[timem:s7], [sflag:s22] =	dma.local [hbm:s5], s20  }
0x9e: {  	_ =	swait.ge [sflag:s22], s20  }
0x9f: {  	s4 =	ssub.s32 $0x0, s20;
	[sflag:s22] =	ssyncset.done $0x0  }
0xa0: {  	[sflag:s22] =	ssyncadd.s32 s4;
	_ =	sdelay $0x1  }
0xa1: {  	s23 =	simm.s32 $0x1B8B  }
0xa2: {  	_ =	swait.ge [sflag:s23], $0x1  }
0xa3: {  	[sflag:s23] =	ssyncset.done $0x0  }
0xa4: {  	s25 =	simm.s32 $0x1B8E;
	s24 =	sld [smem:$0x3FFE];
	[sflag:s23] =	ssyncadd.s32 $0xFFFFFFFF  }
0xa5: {  	s26 =	simm.s32 $execute0_lowered;
	[smem:$0x3FD2] =	sst s25  }
0xa6: {  	s5 =	sshll.u32 s26, $0x1;
	_ =	strace $0x80000046;
	[dreg:$0x1] =	wrdreg $0xFFFFFFFF  }
0xa7: {  	s28 =	simm.s32 $_size_execute0_lowered;
	s3 =	sadd.s32 s3, s5;
	[dreg:$0x0] =	wrdreg $0x0  }
0xa8: {  	s5 =	sshll.u32 s28, $0x1;
	[dreg:$0x2] =	wrdreg s3  }
0xa9: {  	[dreg:$0x3] =	wrdreg s5  }
0xaa: {  	[dreg:$0x4] =	wrdreg $0xC0  }
0xab: {  	_ =	task [dreg:s7], $0x5FFFF  }
0xac: {  	[dreg:$0x1] =	wrdreg $0xFFFFFFFF  }
0xad: {  	[dreg:$0x0] =	wrdreg $0x60  }
0xae: {  	[dreg:$0x2] =	wrdreg s24  }
0xaf: {  	[dreg:$0x3] =	wrdreg s2  }
0xb0: {  	[dreg:$0x4] =	wrdreg $0x9  }
0xb1: {  	_ =	task.clear_ibuf [dreg:s7], $0x5FFFF;
	_ =	strace $0x90000046  }
0xb2: {  	s29 =	simm.s32 $0x9;
	_ =	strace $0x80000048  }
0xb3: {  	_ =	swait.ge [sflag:s29], $0x1  }
0xb4: {  	[sflag:s29] =	ssyncadd.s32 $0xFFFFFFFF  }
0xb5: {  	_ =	strace $0x90000048  }
0xb6: {  	_ =	sfence  }
0xb7: {  	s30 =	sld [smem:$0x0];
	_ =	sdelay $0x2  }
0xb8: {  	s31 =	sshll.u32 s1, $0xD;
	s1 =	sshrl.u32 s1, $0x2  }
0xb9: {  	s3 =	sand.u32 $0x4000, s31;
	s1 =	sadd.s32 s1, s30  }
0xba: {  	s0 =	sor.u32 s3, s0;
	s1 =	sshll.u32 s1, $0x11  }
0xbb: {  	s0 =	sor.u32 s1, s0  }
0xbc: {  	s0 =	sadd.s32 $0x8F2B, s0  }
0xbd: {  	[sflag:s0] =	ssyncadd.remote.s32 $0x1  }
0xbe: {  	_ =	sfence.sel $0xFFFF  }
0xbf: {  	[dreg:$0x0] =	wrdreg $0xFFFFFFFF;
	(pc) =	sbr.abs _section_cstart, $3  }
0xc0: {  	[dreg:$0x1] =	wrdreg $0xFFFFFFFF  }
0xc1: {  	_ =	task.clear_ibuf [dreg:s7], $0x2FFFF;
	_ =	strace $0x9FFFFFFF  }
0xc2: {  	(tm) =	ssettm $0x7FFFFFFF  }
0xc3: {  	_ =	shalt  }
tec
execute0_lowered:
.L_overlay_start_1:
0x0: {  	(tag) =	ssettag $0x1  }
0x1: {  	s0 =	rddreg [dreg:$0x0]  }
0x2: {  	s1 =	srdreg.scid;
	s2 =	stileid.u32;
	s4 =	simm.s32 $0x0  }
0x3: {  	s8 =	simm.s32 $0x80;
	s9 =	simm.s32 $0x1000;
	s12 =	simm.s32 $0x1D80  }
0x4: {  	s6 =	simm.s32 $0x1980;
	s7 =	simm.s32 $0x8180;
	s10 =	simm.s32 $0x1A00  }
0x5: {  	s11 =	simm.s32 $0x1A80;
	s13 =	simm.s32 $0x8980;
	s14 =	simm.s32 $0x1B00  }
0x6: {  	s15 =	simm.s32 $0x8D80;
	s16 =	simm.s32 $0x1B80;
	s17 =	simm.s32 $0x9180  }
0x7: {  	s18 =	simm.s32 $0x1C00;
	s19 =	simm.s32 $0x9580;
	s20 =	simm.s32 $0x1C80  }
0x8: {  	s21 =	simm.s32 $0x9980;
	s22 =	simm.s32 $0x1;
	s23 =	simm.s32 $0x9D80  }
0x9: {  	s26 =	simm.s32 $0x0;
	s1 =	sand.u32 $0x1, s1;
	s2 =	sshll.u32 s2, $0x8  }
0xa: {  	v0 =	vlaneseq.u32;
	[smem:$0x7FF] =	sst s4;
	s3 =	sshll.u32 s1, $0x7;
	s1 =	ssub.s32 $0x2, s1  }
0xb: {  	s5 =	sadd.s32 $0x3C00, s0;
	v0 =	vmul.u32 $0x8, v0;
	s4 =	sor.u32 s3, s2;
	s29 =	sshrl.u32 s1, $0x1  }
0xc: {  	_ =	strace $0x80000047;
	s2 =	sshrl.u32 s4, $0x3;
	s30 =	ssub.s32 s1, s29  }
0xd: {  	s3 =	simm.s32 $0x7D80;
	v1 =	vor.u32 $0x80, v0;
	s2 =	sadd.s32 s2, s0;
	s0 =	smax.u32 s30, $0x1  }
0xe: {  	v2 =	vor.u32 $0x100, v0;
	v3 =	vor.u32 $0x180, v0;
	v4 =	vor.u32 $0x200, v0;
	s1 =	simm.s32 $0x1900;
	s31 =	sadd.s32 $0x800, s2;
	[dreg:$0x4] =	wrdreg s0  }
0xf: {  	v5 =	vor.u32 $0x280, v0;
	v6 =	vor.u32 $0x300, v0;
	v7 =	vor.u32 $0x380, v0;
	s0 =	simm.s32 $0x7980;
	s2 =	simm.s32 $0x8580;
	[dreg:$0x3] =	wrdreg s31  }
.LBB2_1:
0x10: {  	[dreg:$0x5] =	wrdreg s26  }
0x11: {  	s24 =	simm.s32 $0x0;
	s25 =	rddreg [dreg:$0x3];
	s31 =	simm.s32 $0x3  }
0x12: {  	[tilespmem:s24], [sflag:$0x3] =	stream.strided.gather [hbm4b:s25+s8], $0xD00, s9, s8, $0x38;
	[tilespmem:$0xAD80] =	vst v63  }
0x13: {  	_ =	swait.ge [sflag:s31], $0xD00  }
0x14: {  	[sflag:s31] =	ssyncset.done $0x0  }
0x15: {  	s24 =	simm.s32 $0x0;
	s25 =	simm.s32 $0x0;
	[sflag:s31] =	ssyncadd.s32 $0xFFFFF300  }
.LBB2_2:
0x16: {  	s26 =	sshll.u32 s25, $0x7  }
0x17: {  	s26 =	sand.u32 $0x3FFFFF80, s26  }
0x18: {  	v8 =	vld [tilespmem:s26+$0x0];
	_ =	sdelay $0x4  }
0x19: {  	s29 =	sadd.s32 $0x0, s24;
	v8 =	vshrl.u32 v8, $0x3  }
0x1a: {  	s28 =	simm.s32 $0xD40;
	v8 =	vadd.s32 s29, v8  }
0x1b: {  	[tilespmem:s28+$0xFFFFFFC0] =	vst v8  }
0x1c: {  	v8 =	vld [tilespmem:s26+$0x10];
	_ =	sdelay $0x4  }
0x1d: {  	v8 =	vshrl.u32 v8, $0x3  }
0x1e: {  	v8 =	vadd.s32 s29, v8  }
0x1f: {  	[tilespmem:s28+$0xFFFFFFD0] =	vst v8  }
0x20: {  	v8 =	vld [tilespmem:s26+$0x20];
	_ =	sdelay $0x4  }
0x21: {  	v8 =	vshrl.u32 v8, $0x3  }
0x22: {  	v8 =	vadd.s32 s29, v8  }
0x23: {  	[tilespmem:s28+$0xFFFFFFE0] =	vst v8  }
0x24: {  	v8 =	vld [tilespmem:s26+$0x30];
	_ =	sdelay $0x4  }
0x25: {  	v8 =	vshrl.u32 v8, $0x3  }
0x26: {  	v8 =	vadd.s32 s29, v8  }
0x27: {  	[tilespmem:s28+$0xFFFFFFF0] =	vst v8  }
0x28: {  	v8 =	vld [tilespmem:s26+$0x40];
	_ =	sdelay $0x4  }
0x29: {  	v8 =	vshrl.u32 v8, $0x3  }
0x2a: {  	v8 =	vadd.s32 s29, v8  }
0x2b: {  	[tilespmem:s28+$0x0] =	vst v8  }
0x2c: {  	v8 =	vld [tilespmem:s26+$0x50];
	_ =	sdelay $0x4  }
0x2d: {  	v8 =	vshrl.u32 v8, $0x3  }
0x2e: {  	v8 =	vadd.s32 s29, v8  }
0x2f: {  	[tilespmem:s28+$0x10] =	vst v8  }
0x30: {  	v8 =	vld [tilespmem:s26+$0x60];
	_ =	sdelay $0x4  }
0x31: {  	v8 =	vshrl.u32 v8, $0x3  }
0x32: {  	v8 =	vadd.s32 s29, v8  }
0x33: {  	[tilespmem:s28+$0x20] =	vst v8  }
0x34: {  	v8 =	vld [tilespmem:s26+$0x70];
	_ =	sdelay $0x4  }
0x35: {  	v8 =	vshrl.u32 v8, $0x3  }
0x36: {  	v8 =	vadd.s32 s29, v8  }
0x37: {  	[tilespmem:s28+$0x30] =	vst v8  }
0x38: {  	s30 =	simm.s32 $0x61A8;
	s29 =	simm.s32 $0x30D4;
	v8 =	vld [tilespmem:s26+$0x0]  }
.LBB2_3:
0x39: {  	p0 =	sne.s32 s30, $0x5E9AC;
	_ =	sdelay $0x3  }
0x3a: {  	s31 =	sadd.s32 s29, s24;
	s29 =	smov.u32 s30;
	v8 =	vshrl.u32 v8, $0x3  }
0x3b: {  	s28 =	sadd.s32 $0x80, s28;
	v8 =	vadd.s32 s31, v8  }
0x3c: {  	[tilespmem:s28+$0xFFFFFFC0] =	vst v8  }
0x3d: {  	v8 =	vld [tilespmem:s26+$0x10];
	_ =	sdelay $0x4  }
0x3e: {  	v8 =	vshrl.u32 v8, $0x3  }
0x3f: {  	v8 =	vadd.s32 s31, v8  }
0x40: {  	[tilespmem:s28+$0xFFFFFFD0] =	vst v8  }
0x41: {  	v8 =	vld [tilespmem:s26+$0x20];
	_ =	sdelay $0x4  }
0x42: {  	v8 =	vshrl.u32 v8, $0x3  }
0x43: {  	v8 =	vadd.s32 s31, v8  }
0x44: {  	[tilespmem:s28+$0xFFFFFFE0] =	vst v8  }
0x45: {  	v8 =	vld [tilespmem:s26+$0x30];
	_ =	sdelay $0x4  }
0x46: {  	v8 =	vshrl.u32 v8, $0x3  }
0x47: {  	v8 =	vadd.s32 s31, v8  }
0x48: {  	[tilespmem:s28+$0xFFFFFFF0] =	vst v8  }
0x49: {  	v8 =	vld [tilespmem:s26+$0x40];
	_ =	sdelay $0x4  }
0x4a: {  	v8 =	vshrl.u32 v8, $0x3  }
0x4b: {  	v8 =	vadd.s32 s31, v8  }
0x4c: {  	[tilespmem:s28+$0x0] =	vst v8  }
0x4d: {  	v8 =	vld [tilespmem:s26+$0x50];
	_ =	sdelay $0x4  }
0x4e: {  	v8 =	vshrl.u32 v8, $0x3  }
0x4f: {  	v8 =	vadd.s32 s31, v8  }
0x50: {  	[tilespmem:s28+$0x10] =	vst v8  }
0x51: {  	v8 =	vld [tilespmem:s26+$0x60];
	_ =	sdelay $0x4  }
0x52: {  	v8 =	vshrl.u32 v8, $0x3  }
0x53: {  	v8 =	vadd.s32 s31, v8  }
0x54: {  	[tilespmem:s28+$0x20] =	vst v8  }
0x55: {  	v8 =	vld [tilespmem:s26+$0x70];
	_ =	sdelay $0x3  }
.Ltmp0:
0x56: {  	(pc) =	sbr.rel @p0 .LBB2_3-.Ltmp0, $4  }
0x57: {  	v8 =	vshrl.u32 v8, $0x3  }
0x58: {  	v8 =	vadd.s32 s31, v8  }
0x59: {  	[tilespmem:s28+$0x30] =	vst v8  }
0x5a: {  	s30 =	sadd.s32 $0x30D4, s30;
	v8 =	vld [tilespmem:s26+$0x0]  }
0x5b: {  	_ =	sdelay $0x3  }
0x5c: {  	s29 =	sadd.s32 s29, s24;
	v8 =	vshrl.u32 v8, $0x3  }
0x5d: {  	s28 =	sadd.s32 $0x80, s28;
	v8 =	vadd.s32 s29, v8  }
0x5e: {  	[tilespmem:s28+$0xFFFFFFC0] =	vst v8  }
0x5f: {  	v8 =	vld [tilespmem:s26+$0x10];
	_ =	sdelay $0x4  }
0x60: {  	v8 =	vshrl.u32 v8, $0x3  }
0x61: {  	v8 =	vadd.s32 s29, v8  }
0x62: {  	[tilespmem:s28+$0xFFFFFFD0] =	vst v8  }
0x63: {  	v8 =	vld [tilespmem:s26+$0x20];
	_ =	sdelay $0x4  }
0x64: {  	v8 =	vshrl.u32 v8, $0x3  }
0x65: {  	v8 =	vadd.s32 s29, v8  }
0x66: {  	[tilespmem:s28+$0xFFFFFFE0] =	vst v8  }
0x67: {  	v8 =	vld [tilespmem:s26+$0x30];
	_ =	sdelay $0x4  }
0x68: {  	v8 =	vshrl.u32 v8, $0x3  }
0x69: {  	v8 =	vadd.s32 s29, v8  }
0x6a: {  	[tilespmem:s28+$0xFFFFFFF0] =	vst v8  }
0x6b: {  	v8 =	vld [tilespmem:s26+$0x40];
	_ =	sdelay $0x4  }
0x6c: {  	v8 =	vshrl.u32 v8, $0x3  }
0x6d: {  	v8 =	vadd.s32 s29, v8  }
0x6e: {  	[tilespmem:s28+$0x0] =	vst v8  }
0x6f: {  	v8 =	vld [tilespmem:s26+$0x50];
	_ =	sdelay $0x4  }
0x70: {  	v8 =	vshrl.u32 v8, $0x3  }
0x71: {  	v8 =	vadd.s32 s29, v8  }
0x72: {  	[tilespmem:s28+$0x10] =	vst v8  }
0x73: {  	v8 =	vld [tilespmem:s26+$0x60];
	_ =	sdelay $0x4  }
0x74: {  	v8 =	vshrl.u32 v8, $0x3  }
0x75: {  	v8 =	vadd.s32 s29, v8  }
0x76: {  	[tilespmem:s28+$0x20] =	vst v8  }
0x77: {  	v8 =	vld [tilespmem:s26+$0x70];
	_ =	sdelay $0x4  }
0x78: {  	v8 =	vshrl.u32 v8, $0x3  }
0x79: {  	v8 =	vadd.s32 s29, v8  }
0x7a: {  	[tilespmem:s28+$0x30] =	vst v8  }
0x7b: {  	v8 =	vld [tilespmem:s26+$0x0];
	_ =	sdelay $0x4  }
0x7c: {  	v8 =	vand.u32 $0x7, v8  }
0x7d: {  	[tilespmem:$0x1D00] =	vst v8  }
0x7e: {  	v8 =	vld [tilespmem:s26+$0x10];
	_ =	sdelay $0x4  }
0x7f: {  	v8 =	vand.u32 $0x7, v8  }
0x80: {  	[tilespmem:$0x1D10] =	vst v8  }
0x81: {  	v8 =	vld [tilespmem:s26+$0x20];
	_ =	sdelay $0x4  }
0x82: {  	v8 =	vand.u32 $0x7, v8  }
0x83: {  	[tilespmem:$0x1D20] =	vst v8  }
0x84: {  	v8 =	vld [tilespmem:s26+$0x30];
	_ =	sdelay $0x4  }
0x85: {  	v8 =	vand.u32 $0x7, v8  }
0x86: {  	[tilespmem:$0x1D30] =	vst v8  }
0x87: {  	v8 =	vld [tilespmem:s26+$0x40];
	_ =	sdelay $0x4  }
0x88: {  	v8 =	vand.u32 $0x7, v8  }
0x89: {  	[tilespmem:$0x1D40] =	vst v8  }
0x8a: {  	v8 =	vld [tilespmem:s26+$0x50];
	_ =	sdelay $0x4  }
0x8b: {  	v8 =	vand.u32 $0x7, v8  }
0x8c: {  	[tilespmem:$0x1D50] =	vst v8  }
0x8d: {  	v8 =	vld [tilespmem:s26+$0x60];
	_ =	sdelay $0x4  }
0x8e: {  	v8 =	vand.u32 $0x7, v8  }
0x8f: {  	[tilespmem:$0x1D60] =	vst v8  }
0x90: {  	v8 =	vld [tilespmem:s26+$0x70];
	_ =	sdelay $0x4  }
0x91: {  	v8 =	vand.u32 $0x7, v8  }
0x92: {  	s29 =	simm.s32 $0xD00;
	[tilespmem:$0x1D70] =	vst v8  }
0x93: {  	[tilespmem:s12], [sflag:$0x1] =	stream.indirect.gather [hbm4b:s5+s8], $0x8, s29, s8, $0xb8;
	[tilespmem:$0xAD80] =	vst v63  }
0x94: {  	s30 =	simm.s32 $0xD80;
	s28 =	simm.s32 $0x2180  }
0x95: {  	[tilespmem:s28], [sflag:$0x1] =	stream.indirect.gather [hbm4b:s5+s8], $0x8, s30, s8, $0xb8;
	[tilespmem:$0xAD80] =	vst v63  }
0x96: {  	s31 =	simm.s32 $0xE00;
	s28 =	simm.s32 $0x2580  }
0x97: {  	[tilespmem:s28], [sflag:$0x1] =	stream.indirect.gather [hbm4b:s5+s8], $0x8, s31, s8, $0xb8;
	[tilespmem:$0xAD80] =	vst v63  }
0x98: {  	s29 =	simm.s32 $0xE80;
	s28 =	simm.s32 $0x2980  }
0x99: {  	[tilespmem:s28], [sflag:$0x1] =	stream.indirect.gather [hbm4b:s5+s8], $0x8, s29, s8, $0xb8;
	[tilespmem:$0xAD80] =	vst v63  }
0x9a: {  	s30 =	simm.s32 $0xF00;
	s28 =	simm.s32 $0x2D80  }
0x9b: {  	[tilespmem:s28], [sflag:$0x1] =	stream.indirect.gather [hbm4b:s5+s8], $0x8, s30, s8, $0xb8;
	[tilespmem:$0xAD80] =	vst v63  }
0x9c: {  	s31 =	simm.s32 $0xF80;
	s28 =	simm.s32 $0x3180  }
0x9d: {  	[tilespmem:s28], [sflag:$0x1] =	stream.indirect.gather [hbm4b:s5+s8], $0x8, s31, s8, $0xb8;
	[tilespmem:$0xAD80] =	vst v63  }
0x9e: {  	s29 =	simm.s32 $0x3580  }
0x9f: {  	[tilespmem:s29], [sflag:$0x1] =	stream.indirect.gather [hbm4b:s5+s8], $0x8, s9, s8, $0xb8;
	[tilespmem:$0xAD80] =	vst v63  }
0xa0: {  	s30 =	simm.s32 $0x1080;
	s28 =	simm.s32 $0x3980  }
0xa1: {  	[tilespmem:s28], [sflag:$0x1] =	stream.indirect.gather [hbm4b:s5+s8], $0x8, s30, s8, $0xb8;
	[tilespmem:$0xAD80] =	vst v63  }
0xa2: {  	s31 =	simm.s32 $0x1100;
	s28 =	simm.s32 $0x3D80  }
0xa3: {  	[tilespmem:s28], [sflag:$0x1] =	stream.indirect.gather [hbm4b:s5+s8], $0x8, s31, s8, $0xb8;
	[tilespmem:$0xAD80] =	vst v63  }
0xa4: {  	s29 =	simm.s32 $0x1180;
	s28 =	simm.s32 $0x4180  }
0xa5: {  	[tilespmem:s28], [sflag:$0x1] =	stream.indirect.gather [hbm4b:s5+s8], $0x8, s29, s8, $0xb8;
	[tilespmem:$0xAD80] =	vst v63  }
0xa6: {  	s30 =	simm.s32 $0x1200;
	s28 =	simm.s32 $0x4580  }
0xa7: {  	[tilespmem:s28], [sflag:$0x1] =	stream.indirect.gather [hbm4b:s5+s8], $0x8, s30, s8, $0xb8;
	[tilespmem:$0xAD80] =	vst v63  }
0xa8: {  	s31 =	simm.s32 $0x1280;
	s28 =	simm.s32 $0x4980  }
0xa9: {  	[tilespmem:s28], [sflag:$0x1] =	stream.indirect.gather [hbm4b:s5+s8], $0x8, s31, s8, $0xb8;
	[tilespmem:$0xAD80] =	vst v63  }
0xaa: {  	s29 =	simm.s32 $0x1300;
	s28 =	simm.s32 $0x4D80  }
0xab: {  	[tilespmem:s28], [sflag:$0x1] =	stream.indirect.gather [hbm4b:s5+s8], $0x8, s29, s8, $0xb8;
	[tilespmem:$0xAD80] =	vst v63  }
0xac: {  	s30 =	simm.s32 $0x1380;
	s28 =	simm.s32 $0x5180  }
0xad: {  	[tilespmem:s28], [sflag:$0x1] =	stream.indirect.gather [hbm4b:s5+s8], $0x8, s30, s8, $0xb8;
	[tilespmem:$0xAD80] =	vst v63  }
0xae: {  	s31 =	simm.s32 $0x1400;
	s28 =	simm.s32 $0x5580  }
0xaf: {  	[tilespmem:s28], [sflag:$0x1] =	stream.indirect.gather [hbm4b:s5+s8], $0x8, s31, s8, $0xb8;
	[tilespmem:$0xAD80] =	vst v63  }
0xb0: {  	s29 =	simm.s32 $0x1480;
	s28 =	simm.s32 $0x5980  }
0xb1: {  	[tilespmem:s28], [sflag:$0x1] =	stream.indirect.gather [hbm4b:s5+s8], $0x8, s29, s8, $0xb8;
	[tilespmem:$0xAD80] =	vst v63  }
0xb2: {  	s30 =	simm.s32 $0x1500;
	s28 =	simm.s32 $0x5D80  }
0xb3: {  	[tilespmem:s28], [sflag:$0x1] =	stream.indirect.gather [hbm4b:s5+s8], $0x8, s30, s8, $0xb8;
	[tilespmem:$0xAD80] =	vst v63  }
0xb4: {  	s31 =	simm.s32 $0x1580;
	s28 =	simm.s32 $0x6180  }
0xb5: {  	[tilespmem:s28], [sflag:$0x1] =	stream.indirect.gather [hbm4b:s5+s8], $0x8, s31, s8, $0xb8;
	[tilespmem:$0xAD80] =	vst v63  }
0xb6: {  	s29 =	simm.s32 $0x1600;
	s28 =	simm.s32 $0x6580  }
0xb7: {  	[tilespmem:s28], [sflag:$0x1] =	stream.indirect.gather [hbm4b:s5+s8], $0x8, s29, s8, $0xb8;
	[tilespmem:$0xAD80] =	vst v63  }
0xb8: {  	s30 =	simm.s32 $0x1680;
	s28 =	simm.s32 $0x6980  }
0xb9: {  	[tilespmem:s28], [sflag:$0x1] =	stream.indirect.gather [hbm4b:s5+s8], $0x8, s30, s8, $0xb8;
	[tilespmem:$0xAD80] =	vst v63  }
0xba: {  	s31 =	simm.s32 $0x1700;
	s28 =	simm.s32 $0x6D80  }
0xbb: {  	[tilespmem:s28], [sflag:$0x1] =	stream.indirect.gather [hbm4b:s5+s8], $0x8, s31, s8, $0xb8;
	[tilespmem:$0xAD80] =	vst v63  }
0xbc: {  	s29 =	simm.s32 $0x1780;
	s28 =	simm.s32 $0x7180  }
0xbd: {  	[tilespmem:s28], [sflag:$0x1] =	stream.indirect.gather [hbm4b:s5+s8], $0x8, s29, s8, $0xb8;
	[tilespmem:$0xAD80] =	vst v63  }
0xbe: {  	s30 =	simm.s32 $0x1800;
	s28 =	simm.s32 $0x7580  }
0xbf: {  	[tilespmem:s28], [sflag:$0x1] =	stream.indirect.gather [hbm4b:s5+s8], $0x8, s30, s8, $0xb8;
	[tilespmem:$0xAD80] =	vst v63  }
0xc0: {  	s31 =	simm.s32 $0x1880  }
0xc1: {  	[tilespmem:s0], [sflag:$0x1] =	stream.indirect.gather [hbm4b:s5+s8], $0x8, s31, s8, $0xb8;
	[tilespmem:$0xAD80] =	vst v63  }
0xc2: {  	_ = 	snop  }
0xc3: {  	[tilespmem:s3], [sflag:$0x1] =	stream.indirect.gather [hbm4b:s5+s8], $0x8, s1, s8, $0xb8;
	[tilespmem:$0xAD80] =	vst v63  }
0xc4: {  	_ = 	snop  }
0xc5: {  	[tilespmem:s7], [sflag:$0x1] =	stream.indirect.gather [hbm4b:s5+s8], $0x8, s6, s8, $0xb8;
	[tilespmem:$0xAD80] =	vst v63  }
0xc6: {  	_ = 	snop  }
0xc7: {  	[tilespmem:s2], [sflag:$0x1] =	stream.indirect.gather [hbm4b:s5+s8], $0x8, s10, s8, $0xb8;
	[tilespmem:$0xAD80] =	vst v63  }
0xc8: {  	_ = 	snop  }
0xc9: {  	[tilespmem:s13], [sflag:$0x1] =	stream.indirect.gather [hbm4b:s5+s8], $0x8, s11, s8, $0xb8;
	[tilespmem:$0xAD80] =	vst v63  }
0xca: {  	_ = 	snop  }
0xcb: {  	[tilespmem:s15], [sflag:$0x1] =	stream.indirect.gather [hbm4b:s5+s8], $0x8, s14, s8, $0xb8;
	[tilespmem:$0xAD80] =	vst v63  }
0xcc: {  	_ = 	snop  }
0xcd: {  	[tilespmem:s17], [sflag:$0x1] =	stream.indirect.gather [hbm4b:s5+s8], $0x8, s16, s8, $0xb8;
	[tilespmem:$0xAD80] =	vst v63  }
0xce: {  	_ = 	snop  }
0xcf: {  	[tilespmem:s19], [sflag:$0x1] =	stream.indirect.gather [hbm4b:s5+s8], $0x8, s18, s8, $0xb8;
	[tilespmem:$0xAD80] =	vst v63  }
0xd0: {  	_ = 	snop  }
0xd1: {  	[tilespmem:s21], [sflag:$0x1] =	stream.indirect.gather [hbm4b:s5+s8], $0x8, s20, s8, $0xb8;
	[tilespmem:$0xAD80] =	vst v63  }
0xd2: {  	_ =	swait.ge [sflag:s22], $0x400  }
0xd3: {  	[sflag:s22] =	ssyncset.done $0x0  }
0xd4: {  	[sflag:s22] =	ssyncadd.s32 $0xFFFFFC00  }
0xd5: {  	_ =	swait.ge [sflag:s22], $0x400  }
0xd6: {  	[sflag:s22] =	ssyncset.done $0x0  }
0xd7: {  	[sflag:s22] =	ssyncadd.s32 $0xFFFFFC00  }
0xd8: {  	_ =	swait.ge [sflag:s22], $0x400  }
0xd9: {  	[sflag:s22] =	ssyncset.done $0x0  }
0xda: {  	[sflag:s22] =	ssyncadd.s32 $0xFFFFFC00  }
0xdb: {  	_ =	swait.ge [sflag:s22], $0x400  }
0xdc: {  	[sflag:s22] =	ssyncset.done $0x0  }
0xdd: {  	[sflag:s22] =	ssyncadd.s32 $0xFFFFFC00  }
0xde: {  	_ =	swait.ge [sflag:s22], $0x400  }
0xdf: {  	[sflag:s22] =	ssyncset.done $0x0  }
0xe0: {  	[sflag:s22] =	ssyncadd.s32 $0xFFFFFC00  }
0xe1: {  	_ =	swait.ge [sflag:s22], $0x400  }
0xe2: {  	[sflag:s22] =	ssyncset.done $0x0  }
0xe3: {  	[sflag:s22] =	ssyncadd.s32 $0xFFFFFC00  }
0xe4: {  	_ =	swait.ge [sflag:s22], $0x400  }
0xe5: {  	[sflag:s22] =	ssyncset.done $0x0  }
0xe6: {  	[sflag:s22] =	ssyncadd.s32 $0xFFFFFC00  }
0xe7: {  	_ =	swait.ge [sflag:s22], $0x400  }
0xe8: {  	[sflag:s22] =	ssyncset.done $0x0  }
0xe9: {  	[sflag:s22] =	ssyncadd.s32 $0xFFFFFC00  }
0xea: {  	_ =	swait.ge [sflag:s22], $0x400  }
0xeb: {  	[sflag:s22] =	ssyncset.done $0x0  }
0xec: {  	[sflag:s22] =	ssyncadd.s32 $0xFFFFFC00  }
0xed: {  	_ =	swait.ge [sflag:s22], $0x400  }
0xee: {  	[sflag:s22] =	ssyncset.done $0x0  }
0xef: {  	[sflag:s22] =	ssyncadd.s32 $0xFFFFFC00  }
0xf0: {  	_ =	swait.ge [sflag:s22], $0x400  }
0xf1: {  	[sflag:s22] =	ssyncset.done $0x0  }
0xf2: {  	[sflag:s22] =	ssyncadd.s32 $0xFFFFFC00  }
0xf3: {  	_ =	swait.ge [sflag:s22], $0x400  }
0xf4: {  	[sflag:s22] =	ssyncset.done $0x0  }
0xf5: {  	[sflag:s22] =	ssyncadd.s32 $0xFFFFFC00  }
0xf6: {  	_ =	swait.ge [sflag:s22], $0x400  }
0xf7: {  	[sflag:s22] =	ssyncset.done $0x0  }
0xf8: {  	[sflag:s22] =	ssyncadd.s32 $0xFFFFFC00  }
0xf9: {  	_ =	swait.ge [sflag:s22], $0x400  }
0xfa: {  	[sflag:s22] =	ssyncset.done $0x0  }
0xfb: {  	[sflag:s22] =	ssyncadd.s32 $0xFFFFFC00  }
0xfc: {  	_ =	swait.ge [sflag:s22], $0x400  }
0xfd: {  	[sflag:s22] =	ssyncset.done $0x0  }
0xfe: {  	[sflag:s22] =	ssyncadd.s32 $0xFFFFFC00  }
0xff: {  	_ =	swait.ge [sflag:s22], $0x400  }
0x100: {  	[sflag:s22] =	ssyncset.done $0x0  }
0x101: {  	[sflag:s22] =	ssyncadd.s32 $0xFFFFFC00  }
0x102: {  	_ =	swait.ge [sflag:s22], $0x400  }
0x103: {  	[sflag:s22] =	ssyncset.done $0x0  }
0x104: {  	[sflag:s22] =	ssyncadd.s32 $0xFFFFFC00  }
0x105: {  	_ =	swait.ge [sflag:s22], $0x400  }
0x106: {  	[sflag:s22] =	ssyncset.done $0x0  }
0x107: {  	[sflag:s22] =	ssyncadd.s32 $0xFFFFFC00  }
0x108: {  	_ =	swait.ge [sflag:s22], $0x400  }
0x109: {  	[sflag:s22] =	ssyncset.done $0x0  }
0x10a: {  	[sflag:s22] =	ssyncadd.s32 $0xFFFFFC00  }
0x10b: {  	_ =	swait.ge [sflag:s22], $0x400  }
0x10c: {  	[sflag:s22] =	ssyncset.done $0x0  }
0x10d: {  	[sflag:s22] =	ssyncadd.s32 $0xFFFFFC00  }
0x10e: {  	_ =	swait.ge [sflag:s22], $0x400  }
0x10f: {  	[sflag:s22] =	ssyncset.done $0x0  }
0x110: {  	[sflag:s22] =	ssyncadd.s32 $0xFFFFFC00  }
0x111: {  	_ =	swait.ge [sflag:s22], $0x400  }
0x112: {  	[sflag:s22] =	ssyncset.done $0x0  }
0x113: {  	[sflag:s22] =	ssyncadd.s32 $0xFFFFFC00  }
0x114: {  	_ =	swait.ge [sflag:s22], $0x400  }
0x115: {  	[sflag:s22] =	ssyncset.done $0x0  }
0x116: {  	[sflag:s22] =	ssyncadd.s32 $0xFFFFFC00  }
0x117: {  	_ =	swait.ge [sflag:s22], $0x400  }
0x118: {  	[sflag:s22] =	ssyncset.done $0x0  }
0x119: {  	[sflag:s22] =	ssyncadd.s32 $0xFFFFFC00  }
0x11a: {  	_ =	swait.ge [sflag:s22], $0x400  }
0x11b: {  	[sflag:s22] =	ssyncset.done $0x0  }
0x11c: {  	[sflag:s22] =	ssyncadd.s32 $0xFFFFFC00  }
0x11d: {  	_ =	swait.ge [sflag:s22], $0x400  }
0x11e: {  	[sflag:s22] =	ssyncset.done $0x0  }
0x11f: {  	[sflag:s22] =	ssyncadd.s32 $0xFFFFFC00  }
0x120: {  	_ =	swait.ge [sflag:s22], $0x400  }
0x121: {  	[sflag:s22] =	ssyncset.done $0x0  }
0x122: {  	[sflag:s22] =	ssyncadd.s32 $0xFFFFFC00  }
0x123: {  	_ =	swait.ge [sflag:s22], $0x400  }
0x124: {  	[sflag:s22] =	ssyncset.done $0x0  }
0x125: {  	[sflag:s22] =	ssyncadd.s32 $0xFFFFFC00  }
0x126: {  	_ =	swait.ge [sflag:s22], $0x400  }
0x127: {  	[sflag:s22] =	ssyncset.done $0x0  }
0x128: {  	[sflag:s22] =	ssyncadd.s32 $0xFFFFFC00  }
0x129: {  	_ =	swait.ge [sflag:s22], $0x400  }
0x12a: {  	[sflag:s22] =	ssyncset.done $0x0  }
0x12b: {  	[sflag:s22] =	ssyncadd.s32 $0xFFFFFC00  }
0x12c: {  	_ =	swait.ge [sflag:s22], $0x400  }
0x12d: {  	[sflag:s22] =	ssyncset.done $0x0  }
0x12e: {  	[sflag:s22] =	ssyncadd.s32 $0xFFFFFC00  }
0x12f: {  	_ =	swait.ge [sflag:s22], $0x400  }
0x130: {  	p0 =	seq.s32 s25, $0x0;
	[sflag:s22] =	ssyncset.done $0x0  }
0x131: {  	s26 =	simm.s32 @!p0 $0x2;
	[sflag:s22] =	ssyncadd.s32 $0xFFFFFC00  }
0x132: {  	_ =	swait.ge @!p0 [sflag:s26], $0x1000  }
0x133: {  	[sflag:s26] =	ssyncset.done @!p0 $0x0  }
0x134: {  	s28 =	simm.s32 $0x9DC0;
	[sflag:s26] =	ssyncadd.s32 @!p0 $0xFFFFF000;
	s26 =	simm.s32 $0x0  }
.LBB2_5:
0x135: {  	v8 =	vld [tilespmem:$0x1D00];
	_ =	sdelay $0x4  }
0x136: {  	s29 =	sshll.u32 s26, $0xA;
	v9 =	vand.u32 $0xFFFFFFF8, v8  }
0x137: {  	v8 =	vand.u32 $0x7, v8;
	v9 =	vadd.s32 s29, v9  }
0x138: {  	v8 =	vor.u32 v8, v9  }
0x139: {  	v8 =	vadd.s32 v0, v8;
	_ =	sdelay $0x4  }
0x13a: {  	v8 =	vld.idx.msk [tilespmem:v8+s12+$0x0], $0xffff;
	_ =	sdelay $0x4  }
0x13b: {  	[tilespmem:s28+$0xFFFFFFC0] =	vst v8  }
0x13c: {  	v8 =	vld [tilespmem:$0x1D10];
	_ =	sdelay $0x4  }
0x13d: {  	v57 =	vand.u32 $0xFFFFFFF8, v8  }
0x13e: {  	v8 =	vand.u32 $0x7, v8;
	v9 =	vadd.s32 s29, v57  }
0x13f: {  	v8 =	vor.u32 v8, v9  }
0x140: {  	v8 =	vadd.s32 v1, v8;
	_ =	sdelay $0x4  }
0x141: {  	v8 =	vld.idx.msk [tilespmem:v8+s12+$0x0], $0xffff;
	_ =	sdelay $0x4  }
0x142: {  	[tilespmem:s28+$0xFFFFFFD0] =	vst v8  }
0x143: {  	v8 =	vld [tilespmem:$0x1D20];
	_ =	sdelay $0x4  }
0x144: {  	v58 =	vand.u32 $0xFFFFFFF8, v8  }
0x145: {  	v8 =	vand.u32 $0x7, v8;
	v9 =	vadd.s32 s29, v58  }
0x146: {  	v8 =	vor.u32 v8, v9  }
0x147: {  	v8 =	vadd.s32 v2, v8;
	_ =	sdelay $0x4  }
0x148: {  	v8 =	vld.idx.msk [tilespmem:v8+s12+$0x0], $0xffff;
	_ =	sdelay $0x4  }
0x149: {  	[tilespmem:s28+$0xFFFFFFE0] =	vst v8  }
0x14a: {  	v8 =	vld [tilespmem:$0x1D30];
	_ =	sdelay $0x4  }
0x14b: {  	v59 =	vand.u32 $0xFFFFFFF8, v8  }
0x14c: {  	v8 =	vand.u32 $0x7, v8;
	v9 =	vadd.s32 s29, v59  }
0x14d: {  	v8 =	vor.u32 v8, v9  }
0x14e: {  	v8 =	vadd.s32 v3, v8;
	_ =	sdelay $0x4  }
0x14f: {  	v8 =	vld.idx.msk [tilespmem:v8+s12+$0x0], $0xffff;
	_ =	sdelay $0x4  }
0x150: {  	[tilespmem:s28+$0xFFFFFFF0] =	vst v8  }
0x151: {  	v8 =	vld [tilespmem:$0x1D40];
	_ =	sdelay $0x4  }
0x152: {  	v60 =	vand.u32 $0xFFFFFFF8, v8  }
0x153: {  	v8 =	vand.u32 $0x7, v8;
	v9 =	vadd.s32 s29, v60  }
0x154: {  	v8 =	vor.u32 v8, v9  }
0x155: {  	v8 =	vadd.s32 v4, v8;
	_ =	sdelay $0x4  }
0x156: {  	v8 =	vld.idx.msk [tilespmem:v8+s12+$0x0], $0xffff;
	_ =	sdelay $0x4  }
0x157: {  	[tilespmem:s28+$0x0] =	vst v8  }
0x158: {  	v8 =	vld [tilespmem:$0x1D50];
	_ =	sdelay $0x4  }
0x159: {  	v61 =	vand.u32 $0xFFFFFFF8, v8  }
0x15a: {  	v8 =	vand.u32 $0x7, v8;
	v9 =	vadd.s32 s29, v61  }
0x15b: {  	v8 =	vor.u32 v8, v9  }
0x15c: {  	v8 =	vadd.s32 v5, v8;
	_ =	sdelay $0x4  }
0x15d: {  	v8 =	vld.idx.msk [tilespmem:v8+s12+$0x0], $0xffff;
	_ =	sdelay $0x4  }
0x15e: {  	[tilespmem:s28+$0x10] =	vst v8  }
0x15f: {  	v8 =	vld [tilespmem:$0x1D60];
	_ =	sdelay $0x4  }
0x160: {  	v62 =	vand.u32 $0xFFFFFFF8, v8  }
0x161: {  	v8 =	vand.u32 $0x7, v8;
	v9 =	vadd.s32 s29, v62  }
0x162: {  	v8 =	vor.u32 v8, v9  }
0x163: {  	v8 =	vadd.s32 v6, v8;
	_ =	sdelay $0x4  }
0x164: {  	v8 =	vld.idx.msk [tilespmem:v8+s12+$0x0], $0xffff;
	_ =	sdelay $0x4  }
0x165: {  	[tilespmem:s28+$0x20] =	vst v8  }
0x166: {  	v8 =	vld [tilespmem:$0x1D70];
	_ =	sdelay $0x4  }
0x167: {  	v63 =	vand.u32 $0xFFFFFFF8, v8  }
0x168: {  	v8 =	vand.u32 $0x7, v8;
	v9 =	vadd.s32 s29, v63  }
0x169: {  	v8 =	vor.u32 v8, v9  }
0x16a: {  	v8 =	vadd.s32 v7, v8;
	_ =	sdelay $0x4  }
0x16b: {  	p0 =	sne.s32 s26, $0x1F;
	v8 =	vld.idx.msk [tilespmem:v8+s12+$0x0], $0xffff  }
.Ltmp1:
0x16c: {  	_ = 	snop;
	(pc) =	sbr.rel @p0 .LBB2_5-.Ltmp1, $2  }
0x16d: {  	_ =	sdelay $0x2  }
0x16e: {  	s26 =	sadd.s32 $0x1, s26;
	[tilespmem:s28+$0x30] =	vst v8;
	s28 =	sadd.s32 $0x80, s28  }
0x16f: {  	s26 =	sshll.u32 s25, $0x11;
	s25 =	sadd.s32 $0x1, s25  }
0x170: {  	p0 =	sne.s32 s25, $0x1A  }
.Ltmp2:
0x171: {  	_ = 	snop;
	(pc) =	sbr.rel @p0 .LBB2_2-.Ltmp2, $4  }
0x172: {  	s26 =	sor.u32 s4, s26  }
0x173: {  	s28 =	rddreg [dreg:$0x1];
	s26 =	sshrl.u32 s26, $0x3  }
0x174: {  	s24 =	sadd.s32 $0x61A80, s24;
	s26 =	sadd.s32 s28, s26  }
0x175: {  	[hbm4b:s26+s8] =	stream.strided.scatter [tilespmem:s23], [sflag:$0x2], $0x1000, s9, s8, $0x38;
	[tilespmem:$0xAD80] =	vst v63  }
0x176: {  	s25 =	simm.s32 $0x2  }
0x177: {  	_ =	swait.ge [sflag:s25], $0x1000  }
0x178: {  	s26 =	rddreg [dreg:$0x5]  }
0x179: {  	s24 =	rddreg [dreg:$0x4];
	s26 =	sadd.s32 $0x1, s26  }
0x17a: {  	p0 =	sne.s32 s26, s24  }
.Ltmp3:
0x17b: {  	_ = 	snop;
	(pc) =	sbr.rel @p0 .LBB2_1-.Ltmp3, $3  }
0x17c: {  	_ =	sdelay $0x1  }
0x17d: {  	[sflag:s25] =	ssyncset.done $0x0  }
0x17e: {  	[sflag:s25] =	ssyncadd.s32 $0xFFFFF000  }
0x17f: {  	_ =	sfence.sel $0x180000  }
0x180: {  	[bflag:$0x0] =	sbarrier.arrive $0xFFFF  }
0x181: {  	_ =	strace $0x90000047  }
0x182: {  	s0 =	stileid.u32;
	[bflag:$0x2] =	sbarrier.arrive $0xFFFF  }
0x183: {  	p0 =	sne.s32 s0, $0x0;
	s0 =	rddreg [dreg:$0x2]  }
0x184: {  	s0 =	sadd.s32 @!p0 $0x100000, s0  }
0x185: {  	[sflag:s0] =	ssyncadd.tile.s32 @!p0 $0x1;
	_ =	shalt  }
.Lfunc_end2:
_tile_overlayer_lowered:
.L_overlay_start_2:
0x186: {  	(tag) =	ssettag $0x2  }
0x187: {  	s0 =	rddreg [dreg:$0x0];
	s2 =	stileid.u32  }
0x188: {  	s1 =	rddreg [dreg:$0x1];
	p0 =	sne.s32 s2, $0x0  }
0x189: {  	s3 =	rddreg [dreg:$0x2];
	[bflag:$0x3] =	sbarrier.arrive $0xFFFF;
	s2 =	simm.s32 @!p0 $0x1C03  }
0x18a: {  	[timem:s3], [sflag:s2] =	dma.local @!p0 [hbm:s0], s1  }
0x18b: {  	s0 =	simm.s32 @!p0 $0x3  }
0x18c: {  	_ =	swait.ge @!p0 [sflag:s0], s1  }
0x18d: {  	s1 =	ssub.s32 @!p0 $0x0, s1;
	[sflag:s0] =	ssyncset.done @!p0 $0x0  }
0x18e: {  	[sflag:s0] =	ssyncadd.s32 @!p0 s1  }
0x18f: {  	[bflag:$0x3] =	sbarrier.arrive $0xFFFF  }
0x190: {  	_ =	shalt  }

</sc_bundles>
